<compile_context>
chip_gen: v7x
topology: tpu7x:2x2x1
jax: 0.10.2.dev20260603
libtpu: 0.0.44.dev20260713+nightly
codegen_flags: <defaults>
</compile_context>

<pallas_src>
import dataclasses

import jax
import jax.numpy as jnp
from jax import lax
from jax.experimental import pallas as pl
from jax.experimental.pallas import tpu as pltpu
from jax.experimental.pallas import tpu_sc as plsc

QK_DIM = 512
TOPK = 16
SCALE = QK_DIM ** (-0.5)

BQ = 256
NKEY = 1024
ROWS = 16 * 1024
RCHUNK = 32
_NEG = float("-inf")


def _matmul_kernel(q_ref, k_ref, o_ref):
    q = q_ref[0] * SCALE
    k = k_ref[0]
    o_ref[...] = jax.lax.dot_general(
        q, k, (((1,), (1,)), ((), ())),
        preferred_element_type=jnp.float32,
        precision=jax.lax.Precision.DEFAULT,
    )


def _sc_topk(logits):
    mesh = plsc.VectorSubcoreMesh(core_axis_name="core",
                                  subcore_axis_name="subcore")

    cp = pltpu.CompilerParams()
    if "needs_layout_passes" in pltpu.CompilerParams.__dataclass_fields__:
        cp = dataclasses.replace(cp, needs_layout_passes=False)

    @pl.kernel(
        out_type=[
            jax.ShapeDtypeStruct((ROWS, TOPK), jnp.float32),
            jax.ShapeDtypeStruct((ROWS, TOPK), jnp.int32),
        ],
        mesh=mesh,
        compiler_params=cp,
    )
    def topk_kernel(x_hbm, w_hbm, i_hbm):
        lane = lax.iota(jnp.int32, 16)

        def body(x_vmem, w_vmem, i_vmem):
            @pl.loop(0, RCHUNK)
            def _(r):
                def chunk(j, carry):
                    tv, ti = carry
                    v = x_vmem[r, pl.ds(j * 16, 16)]
                    vi = lane + j * 16
                    vs, is_ = plsc.sort_key_val(v, vi, descending=False)
                    ge = tv >= vs
                    mv = jnp.where(ge, tv, vs)
                    mi = jnp.where(ge, ti, is_)
                    nv, ni = plsc.sort_key_val(mv, mi, descending=True)
                    return (nv, ni)

                tv0 = jnp.full((16,), _NEG, jnp.float32)
                ti0 = jnp.zeros((16,), jnp.int32)
                tv, ti = lax.fori_loop(0, NKEY // 16, chunk, (tv0, ti0))
                m = jnp.max(tv)
                e = jnp.exp(tv - m)
                w_vmem[r, :] = e / jnp.sum(e)
                i_vmem[r, :] = ti

        pltpu.emit_pipeline(
            body,
            grid=(ROWS // RCHUNK,),
            in_specs=[pl.BlockSpec((RCHUNK, NKEY), index_map=lambda i: (i, 0))],
            out_specs=[
                pl.BlockSpec((RCHUNK, TOPK), index_map=lambda i: (i, 0)),
                pl.BlockSpec((RCHUNK, TOPK), index_map=lambda i: (i, 0)),
            ],
            core_axis_name=("core", "subcore"),
            dimension_semantics=(pltpu.PARALLEL,),
        )(x_hbm, w_hbm, i_hbm)

    return topk_kernel(logits)


@jax.jit
def kernel(query, key):
    n, v, p, c = key.shape
    key_hat = key.reshape(n, v * p, c)
    nq = query.shape[1]
    logits = pl.pallas_call(
        _matmul_kernel,
        grid=(n, nq // BQ),
        in_specs=[
            pl.BlockSpec((1, BQ, c), lambda b, qb: (b, qb, 0)),
            pl.BlockSpec((1, v * p, c), lambda b, qb: (b, 0, 0)),
        ],
        out_specs=pl.BlockSpec((BQ, NKEY), lambda b, qb: (b * 4 + qb, 0)),
        out_shape=jax.ShapeDtypeStruct((ROWS, NKEY), jnp.float32),
    )(query, key_hat)
    w, idx = _sc_topk(logits)
    return (w.reshape(n, nq, TOPK), idx.reshape(n, nq, TOPK))

# --- scband reference (transcript-rebuilt; emitter-appended) ---
"""Pipeline reference for scband-top-k-41695542510268 (READ-ONLY COPY).

The authoritative reference and input builder live on the scoring server;
editing this copy changes nothing except your own understanding.
"""

import jax, jax.numpy as jnp
import numpy as np

QK_DIM = 512
TOPK = 16
SCALE = QK_DIM ** (-0.5)

def setup_inputs(seed: int = 0) -> dict:
    key = jax.random.key(seed)
    k1, k2 = jax.random.split(key)
    query = jax.random.normal(k1, (16, 1024, 512), dtype=jnp.float32)
    key_t = jax.random.normal(k2, (16, 8, 128, 512), dtype=jnp.float32)
    return {"query": query, "key": key_t}

def reference(query, key):
    # query, key are detached in the original module (no grad flow), forward math identical
    query = jax.lax.stop_gradient(query)
    key = jax.lax.stop_gradient(key)
    # emb is Identity
    n, v, p, c = key.shape
    key_hat = key.reshape(n, v * p, c)  # 'n v p c -> n (v p) c'
    attn_logit = (query * SCALE) @ jnp.swapaxes(key_hat, -2, -1)  # [n, q, v*p]
    topk_attn_logit, topk_index = jax.lax.top_k(attn_logit, TOPK)
    r_weight = jax.nn.softmax(topk_attn_logit, axis=-1)
    return (r_weight, topk_index)

if __name__ == "__main__":
    import jax
    _d = setup_inputs()
    print(jax.jit(kernel)(*tuple(_d.values())))

</pallas_src>

<mosaic_0001>
#map = affine_map<(d0, d1) -> (0, 0)>
module attributes {stable_mosaic.version = 14 : i64} {
  func.func @topk_kernel(%arg0: i32, %arg1: i32, %arg2: memref<16384x1024xf32, #tpu.memory_space<hbm>>, %arg3: memref<16384x16xf32, #tpu.memory_space<hbm>>, %arg4: memref<16384x16xi32, #tpu.memory_space<hbm>>) attributes {dimension_semantics = [#tpu.dimension_semantics<core_parallel>, #tpu.dimension_semantics<subcore_parallel>], iteration_bounds = array<i64: 2, 16>, scalar_prefetch = 0 : i64, scratch_operands = 0 : i64, tpu.core_type = #tpu.core_type<sc_vector_subcore>, window_params = [{transform_indices = #map}, {transform_indices = #map}, {transform_indices = #map}]} {
    %iota3A = tpu.iota {dimensions = array<i32: 0>} : vector<16xi32>
    %mul3A = arith.constant 1 : i32
    %mul3A_0 = arith.muli %arg1, %mul3A : i32
    %add3A = arith.constant 0 : i32
    %add3A_1 = arith.addi %add3A, %mul3A_0 : i32
    %mul3A_2 = arith.constant 16 : i32
    %mul3A_3 = arith.muli %arg0, %mul3A_2 : i32
    %add3A_4 = arith.addi %add3A_1, %mul3A_3 : i32
    %mul3A_5 = arith.constant 16 : i32
    %mul3A_6 = arith.muli %add3A_4, %mul3A_5 : i32
    "tpu.region"() ({
      %run_scoped3A = memref.alloca() : memref<2x32x1024xf32, #tpu.memory_space<vmem>>
      %run_scoped3A_7 = tpu.sem_alloc : memref<2x!tpu.dma_semaphore, #tpu.memory_space<semaphore_mem>>
      %run_scoped3A_8 = memref.alloca() : memref<2x32x16xf32, #tpu.memory_space<vmem>>
      %run_scoped3A_9 = tpu.sem_alloc : memref<2x!tpu.dma_semaphore, #tpu.memory_space<semaphore_mem>>
      %run_scoped3A_10 = memref.alloca() : memref<2x32x16xi32, #tpu.memory_space<vmem>>
      %run_scoped3A_11 = tpu.sem_alloc : memref<2x!tpu.dma_semaphore, #tpu.memory_space<semaphore_mem>>
      %add3A_12 = arith.constant 0 : i32
      %add3A_13 = arith.addi %add3A_12, %mul3A_6 : i32
      %select_n3A = arith.constant true
      %select_n3A_14 = arith.constant 0 : i32
      %select_n3A_15 = arith.constant -1 : i32
      %select_n3A_16 = arith.select %select_n3A, %select_n3A_15, %select_n3A_14 : i32
      %eq3A = arith.constant -1 : i32
      %eq3A_17 = arith.cmpi eq, %select_n3A_16, %eq3A : i32
      %select_n3A_18 = arith.constant 15 : i32
      %select_n3A_19 = arith.select %eq3A_17, %select_n3A_18, %select_n3A_16 : i32
      %add3A_20 = arith.addi %select_n3A_19, %mul3A_6 : i32
      %select_n3A_21 = arith.constant true
      %select_n3A_22 = arith.constant 0 : i32
      %select_n3A_23 = arith.constant 1 : i32
      %select_n3A_24 = arith.select %select_n3A_21, %select_n3A_23, %select_n3A_22 : i32
      %eq3A_25 = arith.constant 16 : i32
      %eq3A_26 = arith.cmpi eq, %select_n3A_24, %eq3A_25 : i32
      %select_n3A_27 = arith.constant 0 : i32
      %select_n3A_28 = arith.select %eq3A_26, %select_n3A_27, %select_n3A_24 : i32
      %add3A_29 = arith.addi %select_n3A_28, %mul3A_6 : i32
      %add3A_30 = arith.constant 1 : i32
      %add3A_31 = arith.addi %select_n3A_28, %add3A_30 : i32
      %select_n3A_32 = arith.constant true
      %select_n3A_33 = arith.select %select_n3A_32, %add3A_31, %select_n3A_28 : i32
      %eq3A_34 = arith.constant 16 : i32
      %eq3A_35 = arith.cmpi eq, %select_n3A_33, %eq3A_34 : i32
      %select_n3A_36 = arith.constant 0 : i32
      %select_n3A_37 = arith.select %eq3A_35, %select_n3A_36, %select_n3A_33 : i32
      %add3A_38 = arith.addi %select_n3A_37, %mul3A_6 : i32
      "tpu.trace_start"() <{level = 10 : i32, message = "ep_initialize_0"}> : () -> ()
      %rem3A = arith.constant 0 : i32
      %rem3A_39 = arith.constant 2 : i32
      %rem3A_40 = arith.remui %rem3A, %rem3A_39 : i32
      %mul3A_41 = arith.constant 32 : i32
      %mul3A_42 = arith.muli %mul3A_41, %add3A_13 : i32
      %dma_start3A = arith.constant 0 : i32
      %dma_start3A_43 = arith.constant 0 : i32
      %dma_start3A_44 = tpu.memref_slice %run_scoped3A[%rem3A_40, %dma_start3A, %dma_start3A_43] : memref<2x32x1024xf32, #tpu.memory_space<vmem>> -> memref<1x32x1024xf32, #tpu.memory_space<vmem>>
      %dma_start3A_45 = tpu.memref_squeeze %dma_start3A_44 : memref<1x32x1024xf32, #tpu.memory_space<vmem>> -> memref<32x1024xf32, #tpu.memory_space<vmem>>
      %dma_start3A_46 = arith.constant 0 : i32
      %dma_start3A_47 = tpu.memref_slice %arg2[%mul3A_42, %dma_start3A_46] : memref<16384x1024xf32, #tpu.memory_space<hbm>> -> memref<32x1024xf32, #tpu.memory_space<hbm>>
      %dma_start3A_48 = tpu.memref_slice %run_scoped3A_7[%rem3A_40] : memref<2x!tpu.dma_semaphore, #tpu.memory_space<semaphore_mem>> -> memref<1x!tpu.dma_semaphore, #tpu.memory_space<semaphore_mem>>
      %dma_start3A_49 = tpu.memref_squeeze %dma_start3A_48 : memref<1x!tpu.dma_semaphore, #tpu.memory_space<semaphore_mem>> -> memref<!tpu.dma_semaphore, #tpu.memory_space<semaphore_mem>>
      %dma_start3A_50 = arith.constant 0 : i32
      %dma_start3A_51 = arith.constant 0 : i32
      %dma_start3A_52 = tpu.memref_slice %run_scoped3A[%rem3A_40, %dma_start3A_50, %dma_start3A_51] : memref<2x32x1024xf32, #tpu.memory_space<vmem>> -> memref<1x32x1024xf32, #tpu.memory_space<vmem>>
      %dma_start3A_53 = tpu.memref_squeeze %dma_start3A_52 : memref<1x32x1024xf32, #tpu.memory_space<vmem>> -> memref<32x1024xf32, #tpu.memory_space<vmem>>
      %dma_start3A_54 = arith.constant 0 : i32
      %dma_start3A_55 = tpu.memref_slice %arg2[%mul3A_42, %dma_start3A_54] : memref<16384x1024xf32, #tpu.memory_space<hbm>> -> memref<32x1024xf32, #tpu.memory_space<hbm>>
      tpu.enqueue_dma source(%dma_start3A_55 : memref<32x1024xf32, #tpu.memory_space<hbm>>) target(%dma_start3A_53 : memref<32x1024xf32, #tpu.memory_space<vmem>>) target_semaphore(%dma_start3A_49 : memref<!tpu.dma_semaphore, #tpu.memory_space<semaphore_mem>>)
      %add3A_56 = arith.constant 0 : i32
      %add3A_57 = arith.constant 1 : i32
      %add3A_58 = arith.addi %add3A_56, %add3A_57 : i32
      %select_n3A_59 = arith.constant true
      %select_n3A_60 = arith.constant 0 : i32
      %select_n3A_61 = arith.select %select_n3A_59, %add3A_58, %select_n3A_60 : i32
      "tpu.trace_stop"() : () -> ()
      %scan3A = arith.constant 0 : i32
      %scan3A_62 = arith.constant 0 : i32
      %scan3A_63 = arith.constant 0 : i32
      %scan3A_64 = arith.constant 0 : i32
      %scan3A_65 = arith.constant 0 : i32
      %scan3A_66 = arith.constant 0 : i32
      %scan3A_67 = arith.constant 0 : i32
      %scan3A_68 = arith.constant 16 : i32
      %scan3A_69 = arith.addi %scan3A_67, %scan3A_68 : i32
      %scan3A_70 = arith.constant 1 : i32
      %scan3A_71:7 = scf.for %scan3A_143 = %scan3A_67 to %scan3A_69 step %scan3A_70 iter_args(%scan3A_144 = %select_n3A_61, %scan3A_145 = %scan3A, %scan3A_146 = %scan3A_62, %scan3A_147 = %scan3A_63, %scan3A_148 = %scan3A_64, %scan3A_149 = %scan3A_65, %scan3A_150 = %scan3A_66) -> (i32, i32, i32, i32, i32, i32, i32)  : i32 {
        %eq3A_151 = arith.constant 0 : i32
        %eq3A_152 = arith.cmpi eq, %scan3A_143, %eq3A_151 : i32
        %eq3A_153 = arith.constant 15 : i32
        %eq3A_154 = arith.cmpi eq, %scan3A_143, %eq3A_153 : i32
        %add3A_155 = arith.addi %scan3A_150, %mul3A_6 : i32
        %sub3A_156 = arith.constant 1 : i32
        %sub3A_157 = arith.subi %scan3A_150, %sub3A_156 : i32
        %select_n3A_158 = arith.constant true
        %select_n3A_159 = arith.select %select_n3A_158, %sub3A_157, %scan3A_150 : i32
        %eq3A_160 = arith.constant -1 : i32
        %eq3A_161 = arith.cmpi eq, %select_n3A_159, %eq3A_160 : i32
        %select_n3A_162 = arith.constant 15 : i32
        %select_n3A_163 = arith.select %eq3A_161, %select_n3A_162, %select_n3A_159 : i32
        %add3A_164 = arith.addi %select_n3A_163, %mul3A_6 : i32
        %add3A_165 = arith.constant 1 : i32
        %add3A_166 = arith.addi %scan3A_150, %add3A_165 : i32
        %select_n3A_167 = arith.constant true
        %select_n3A_168 = arith.select %select_n3A_167, %add3A_166, %scan3A_150 : i32
        %eq3A_169 = arith.constant 16 : i32
        %eq3A_170 = arith.cmpi eq, %select_n3A_168, %eq3A_169 : i32
        %select_n3A_171 = arith.constant 0 : i32
        %select_n3A_172 = arith.select %eq3A_170, %select_n3A_171, %select_n3A_168 : i32
        %add3A_173 = arith.addi %select_n3A_172, %mul3A_6 : i32
        %add3A_174 = arith.constant 1 : i32
        %add3A_175 = arith.addi %select_n3A_172, %add3A_174 : i32
        %select_n3A_176 = arith.constant true
        %select_n3A_177 = arith.select %select_n3A_176, %add3A_175, %select_n3A_172 : i32
        %eq3A_178 = arith.constant 16 : i32
        %eq3A_179 = arith.cmpi eq, %select_n3A_177, %eq3A_178 : i32
        %select_n3A_180 = arith.constant 0 : i32
        %select_n3A_181 = arith.select %eq3A_179, %select_n3A_180, %select_n3A_177 : i32
        %add3A_182 = arith.addi %select_n3A_181, %mul3A_6 : i32
        %ne3A = arith.cmpi ne, %add3A_155, %add3A_173 : i32
        %or3A = arith.constant false
        %or3A_183 = arith.ori %or3A, %ne3A : i1
        %or3A_184 = arith.constant false
        %or3A_185 = arith.ori %or3A_183, %or3A_184 : i1
        %ge3A = arith.constant 15 : i32
        %ge3A_186 = arith.cmpi sge, %scan3A_143, %ge3A : i32
        %not3A = arith.constant true
        %not3A_187 = arith.xori %ge3A_186, %not3A : i1
        %and3A = arith.andi %or3A_185, %not3A_187 : i1
        %convert_element_type3A = arith.extui %and3A : i1 to i32
        %cond3A = arith.constant 0 : i32
        %cond3A_188 = arith.cmpi ne, %convert_element_type3A, %cond3A : i32
        scf.if %cond3A_188 {
          "tpu.trace_start"() <{level = 10 : i32, message = "ep_copy_in"}> : () -> ()
          %rem3A_353 = arith.constant 2 : i32
          %rem3A_354 = arith.remui %scan3A_144, %rem3A_353 : i32
          %mul3A_355 = arith.constant 32 : i32
          %mul3A_356 = arith.muli %mul3A_355, %add3A_173 : i32
          %dma_start3A_357 = arith.constant 0 : i32
          %dma_start3A_358 = arith.constant 0 : i32
          %dma_start3A_359 = tpu.memref_slice %run_scoped3A[%rem3A_354, %dma_start3A_357, %dma_start3A_358] : memref<2x32x1024xf32, #tpu.memory_space<vmem>> -> memref<1x32x1024xf32, #tpu.memory_space<vmem>>
          %dma_start3A_360 = tpu.memref_squeeze %dma_start3A_359 : memref<1x32x1024xf32, #tpu.memory_space<vmem>> -> memref<32x1024xf32, #tpu.memory_space<vmem>>
          %dma_start3A_361 = arith.constant 0 : i32
          %dma_start3A_362 = tpu.memref_slice %arg2[%mul3A_356, %dma_start3A_361] : memref<16384x1024xf32, #tpu.memory_space<hbm>> -> memref<32x1024xf32, #tpu.memory_space<hbm>>
          %dma_start3A_363 = tpu.memref_slice %run_scoped3A_7[%rem3A_354] : memref<2x!tpu.dma_semaphore, #tpu.memory_space<semaphore_mem>> -> memref<1x!tpu.dma_semaphore, #tpu.memory_space<semaphore_mem>>
          %dma_start3A_364 = tpu.memref_squeeze %dma_start3A_363 : memref<1x!tpu.dma_semaphore, #tpu.memory_space<semaphore_mem>> -> memref<!tpu.dma_semaphore, #tpu.memory_space<semaphore_mem>>
          %dma_start3A_365 = arith.constant 0 : i32
          %dma_start3A_366 = arith.constant 0 : i32
          %dma_start3A_367 = tpu.memref_slice %run_scoped3A[%rem3A_354, %dma_start3A_365, %dma_start3A_366] : memref<2x32x1024xf32, #tpu.memory_space<vmem>> -> memref<1x32x1024xf32, #tpu.memory_space<vmem>>
          %dma_start3A_368 = tpu.memref_squeeze %dma_start3A_367 : memref<1x32x1024xf32, #tpu.memory_space<vmem>> -> memref<32x1024xf32, #tpu.memory_space<vmem>>
          %dma_start3A_369 = arith.constant 0 : i32
          %dma_start3A_370 = tpu.memref_slice %arg2[%mul3A_356, %dma_start3A_369] : memref<16384x1024xf32, #tpu.memory_space<hbm>> -> memref<32x1024xf32, #tpu.memory_space<hbm>>
          tpu.enqueue_dma source(%dma_start3A_370 : memref<32x1024xf32, #tpu.memory_space<hbm>>) target(%dma_start3A_368 : memref<32x1024xf32, #tpu.memory_space<vmem>>) target_semaphore(%dma_start3A_364 : memref<!tpu.dma_semaphore, #tpu.memory_space<semaphore_mem>>)
          "tpu.trace_stop"() : () -> ()
        } else {
        }
        %and3A_189 = arith.constant true
        %and3A_190 = arith.andi %and3A, %and3A_189 : i1
        %add3A_191 = arith.constant 1 : i32
        %add3A_192 = arith.addi %scan3A_144, %add3A_191 : i32
        %select_n3A_193 = arith.select %and3A_190, %add3A_192, %scan3A_144 : i32
        %ne3A_194 = arith.cmpi ne, %add3A_155, %add3A_173 : i32
        %or3A_195 = arith.constant false
        %or3A_196 = arith.ori %or3A_195, %ne3A_194 : i1
        %or3A_197 = arith.constant false
        %or3A_198 = arith.ori %or3A_196, %or3A_197 : i1
        %ge3A_199 = arith.constant 15 : i32
        %ge3A_200 = arith.cmpi sge, %scan3A_143, %ge3A_199 : i32
        %not3A_201 = arith.constant true
        %not3A_202 = arith.xori %ge3A_200, %not3A_201 : i1
        %and3A_203 = arith.andi %or3A_198, %not3A_202 : i1
        %ne3A_204 = arith.cmpi ne, %add3A_155, %add3A_173 : i32
        %or3A_205 = arith.constant false
        %or3A_206 = arith.ori %or3A_205, %ne3A_204 : i1
        %or3A_207 = arith.constant false
        %or3A_208 = arith.ori %or3A_206, %or3A_207 : i1
        %ge3A_209 = arith.constant 15 : i32
        %ge3A_210 = arith.cmpi sge, %scan3A_143, %ge3A_209 : i32
        %not3A_211 = arith.constant true
        %not3A_212 = arith.xori %ge3A_210, %not3A_211 : i1
        %and3A_213 = arith.andi %or3A_208, %not3A_212 : i1
        %ne3A_214 = arith.cmpi ne, %add3A_155, %add3A_164 : i32
        %or3A_215 = arith.constant false
        %or3A_216 = arith.ori %or3A_215, %ne3A_214 : i1
        %or3A_217 = arith.constant false
        %or3A_218 = arith.ori %or3A_216, %or3A_217 : i1
        %or3A_219 = arith.ori %or3A_218, %eq3A_152 : i1
        %convert_element_type3A_220 = arith.extui %or3A_219 : i1 to i32
        %cond3A_221 = arith.constant 0 : i32
        %cond3A_222 = arith.cmpi ne, %convert_element_type3A_220, %cond3A_221 : i32
        scf.if %cond3A_222 {
          "tpu.trace_start"() <{level = 10 : i32, message = "ep_wait_in"}> : () -> ()
          %mul3A_353 = arith.constant 32 : i32
          %mul3A_354 = arith.muli %mul3A_353, %add3A_155 : i32
          %rem3A_355 = arith.constant 2 : i32
          %rem3A_356 = arith.remui %scan3A_145, %rem3A_355 : i32
          %dma_wait3A_357 = arith.constant 0 : i32
          %dma_wait3A_358 = arith.constant 0 : i32
          %dma_wait3A_359 = tpu.memref_slice %run_scoped3A[%rem3A_356, %dma_wait3A_357, %dma_wait3A_358] : memref<2x32x1024xf32, #tpu.memory_space<vmem>> -> memref<1x32x1024xf32, #tpu.memory_space<vmem>>
          %dma_wait3A_360 = tpu.memref_squeeze %dma_wait3A_359 : memref<1x32x1024xf32, #tpu.memory_space<vmem>> -> memref<32x1024xf32, #tpu.memory_space<vmem>>
          %dma_wait3A_361 = arith.constant 0 : i32
          %dma_wait3A_362 = tpu.memref_slice %arg2[%mul3A_354, %dma_wait3A_361] : memref<16384x1024xf32, #tpu.memory_space<hbm>> -> memref<32x1024xf32, #tpu.memory_space<hbm>>
          %dma_wait3A_363 = tpu.memref_slice %run_scoped3A_7[%rem3A_356] : memref<2x!tpu.dma_semaphore, #tpu.memory_space<semaphore_mem>> -> memref<1x!tpu.dma_semaphore, #tpu.memory_space<semaphore_mem>>
          %dma_wait3A_364 = tpu.memref_squeeze %dma_wait3A_363 : memref<1x!tpu.dma_semaphore, #tpu.memory_space<semaphore_mem>> -> memref<!tpu.dma_semaphore, #tpu.memory_space<semaphore_mem>>
          %dma_wait3A_365 = arith.constant 0 : i32
          %dma_wait3A_366 = arith.constant 0 : i32
          %dma_wait3A_367 = tpu.memref_slice %run_scoped3A[%rem3A_356, %dma_wait3A_365, %dma_wait3A_366] : memref<2x32x1024xf32, #tpu.memory_space<vmem>> -> memref<1x32x1024xf32, #tpu.memory_space<vmem>>
          %dma_wait3A_368 = tpu.memref_squeeze %dma_wait3A_367 : memref<1x32x1024xf32, #tpu.memory_space<vmem>> -> memref<32x1024xf32, #tpu.memory_space<vmem>>
          %dma_wait3A_369 = arith.constant 0 : i32
          %dma_wait3A_370 = tpu.memref_slice %arg2[%mul3A_354, %dma_wait3A_369] : memref<16384x1024xf32, #tpu.memory_space<hbm>> -> memref<32x1024xf32, #tpu.memory_space<hbm>>
          tpu.wait_dma2 semaphore(%dma_wait3A_364 : memref<!tpu.dma_semaphore, #tpu.memory_space<semaphore_mem>>) src(%dma_wait3A_370 : memref<32x1024xf32, #tpu.memory_space<hbm>>) dst(%dma_wait3A_368 : memref<32x1024xf32, #tpu.memory_space<vmem>>)
          "tpu.trace_stop"() : () -> ()
        } else {
        }
        %ne3A_223 = arith.cmpi ne, %add3A_155, %add3A_164 : i32
        %or3A_224 = arith.constant false
        %or3A_225 = arith.ori %or3A_224, %ne3A_223 : i1
        %or3A_226 = arith.constant false
        %or3A_227 = arith.ori %or3A_225, %or3A_226 : i1
        %or3A_228 = arith.ori %or3A_227, %eq3A_152 : i1
        %convert_element_type3A_229 = arith.extui %or3A_228 : i1 to i32
        %cond3A_230 = arith.constant 0 : i32
        %cond3A_231 = arith.cmpi ne, %convert_element_type3A_229, %cond3A_230 : i32
        scf.if %cond3A_231 {
        } else {
        }
        %ne3A_232 = arith.cmpi ne, %add3A_155, %add3A_164 : i32
        %or3A_233 = arith.constant false
        %or3A_234 = arith.ori %or3A_233, %ne3A_232 : i1
        %or3A_235 = arith.constant false
        %or3A_236 = arith.ori %or3A_234, %or3A_235 : i1
        %or3A_237 = arith.ori %or3A_236, %eq3A_152 : i1
        %convert_element_type3A_238 = arith.extui %or3A_237 : i1 to i32
        %cond3A_239 = arith.constant 0 : i32
        %cond3A_240 = arith.cmpi ne, %convert_element_type3A_238, %cond3A_239 : i32
        scf.if %cond3A_240 {
        } else {
        }
        %rem3A_241 = arith.constant 2 : i32
        %rem3A_242 = arith.remui %scan3A_145, %rem3A_241 : i32
        %rem3A_243 = arith.constant 2 : i32
        %rem3A_244 = arith.remui %scan3A_146, %rem3A_243 : i32
        %rem3A_245 = arith.constant 2 : i32
        %rem3A_246 = arith.remui %scan3A_148, %rem3A_245 : i32
        "tpu.trace_start"() <{level = 10 : i32, message = "ep_run_kernel"}> : () -> ()
        %scan3A_247 = arith.constant 0 : i32
        %scan3A_248 = arith.constant 32 : i32
        %scan3A_249 = arith.addi %scan3A_247, %scan3A_248 : i32
        %scan3A_250 = arith.constant 1 : i32
        scf.for %scan3A_353 = %scan3A_247 to %scan3A_249 step %scan3A_250  : i32 {
          %mul3A_354 = arith.constant 1 : i32
          %mul3A_355 = arith.muli %scan3A_353, %mul3A_354 : i32
          %add3A_356 = arith.constant 0 : i32
          %add3A_357 = arith.addi %add3A_356, %mul3A_355 : i32
          %broadcast_in_dim3A = arith.constant 0xFF800000 : f32
          %broadcast_in_dim3A_358 = vector.broadcast %broadcast_in_dim3A : f32 to vector<16xf32>
          %broadcast_in_dim3A_359 = arith.constant 0 : i32
          %broadcast_in_dim3A_360 = vector.broadcast %broadcast_in_dim3A_359 : i32 to vector<16xi32>
          %scan3A_361 = arith.constant 0 : i32
          %scan3A_362 = arith.constant 64 : i32
          %scan3A_363 = arith.addi %scan3A_361, %scan3A_362 : i32
          %scan3A_364 = arith.constant 1 : i32
          %scan3A_365:2 = scf.for %scan3A_389 = %scan3A_361 to %scan3A_363 step %scan3A_364 iter_args(%scan3A_390 = %broadcast_in_dim3A_358, %scan3A_391 = %broadcast_in_dim3A_360) -> (vector<16xf32>, vector<16xi32>)  : i32 {
            %mul3A_392 = arith.constant 16 : i32
            %mul3A_393 = arith.muli %scan3A_389, %mul3A_392 : i32
            %get3A = arith.constant 0 : i32
            %get3A_394 = arith.constant 0 : i32
            %get3A_395 = tpu.memref_slice %run_scoped3A[%rem3A_242, %get3A, %get3A_394] : memref<2x32x1024xf32, #tpu.memory_space<vmem>> -> memref<1x32x1024xf32, #tpu.memory_space<vmem>>
            %get3A_396 = tpu.memref_squeeze %get3A_395 : memref<1x32x1024xf32, #tpu.memory_space<vmem>> -> memref<32x1024xf32, #tpu.memory_space<vmem>>
            %get3A_397 = arith.index_cast %add3A_357 : i32 to index
            %get3A_398 = arith.index_cast %mul3A_393 : i32 to index
            %get3A_399 = tpu.vector_load %get3A_396[%get3A_397, %get3A_398] {strides = array<i32>} : memref<32x1024xf32, #tpu.memory_space<vmem>>, vector<16xf32>,
            %mul3A_400 = arith.constant 16 : i32
            %mul3A_401 = arith.muli %scan3A_389, %mul3A_400 : i32
            %add3A_402 = vector.broadcast %mul3A_401 : i32 to vector<16xi32>
            %add3A_403 = arith.addi %iota3A, %add3A_402 : vector<16xi32>
            %masked_sort3A = arith.constant dense<true> : vector<16xi1>
            %masked_sort3A_404, %masked_sort3A_405, %masked_sort3A_406 = tpu.sort %get3A_399, %add3A_403 masked %masked_sort3A : (vector<16xf32>, vector<16xi32>, vector<16xi1>) -> (vector<16xi1>, vector<16xf32>, vector<16xi32>)
            %ge3A_407 = arith.cmpf oge, %scan3A_390, %masked_sort3A_405 : vector<16xf32>
            %select_n3A_408 = arith.select %ge3A_407, %scan3A_390, %masked_sort3A_405 : vector<16xi1>, vector<16xf32>
            %select_n3A_409 = arith.select %ge3A_407, %scan3A_391, %masked_sort3A_406 : vector<16xi1>, vector<16xi32>
            %masked_sort3A_410 = arith.constant dense<true> : vector<16xi1>
            %masked_sort3A_411, %masked_sort3A_412, %masked_sort3A_413 = tpu.sort %select_n3A_408, %select_n3A_409 masked %masked_sort3A_410 {descending = true} : (vector<16xf32>, vector<16xi32>, vector<16xi1>) -> (vector<16xi1>, vector<16xf32>, vector<16xi32>)
            scf.yield %masked_sort3A_412, %masked_sort3A_413 : vector<16xf32>, vector<16xi32>
          }
          %scan3A_366 = arith.constant 64 : i32
          %reduce_max3A = arith.constant true
          %reduce_max3A_367 = vector.broadcast %reduce_max3A : i1 to vector<16xi1>
          %reduce_max3A_368 = tpu.scan <max>, %scan3A_365#0 masked %reduce_max3A_367 : vector<16xf32>, vector<16xi1> -> vector<16xf32>
          %reduce_max3A_369 = vector.extract %reduce_max3A_368[15] : f32 from vector<16xf32>
          %sub3A_370 = vector.broadcast %reduce_max3A_369 : f32 to vector<16xf32>
          %sub3A_371 = arith.subf %scan3A_365#0, %sub3A_370 : vector<16xf32>
          %exp3A = math.exp %sub3A_371 : vector<16xf32>
          %reduce_sum3A = arith.constant true
          %reduce_sum3A_372 = vector.broadcast %reduce_sum3A : i1 to vector<16xi1>
          %reduce_sum3A_373 = tpu.scan <sum>, %exp3A masked %reduce_sum3A_372 : vector<16xf32>, vector<16xi1> -> vector<16xf32>
          %reduce_sum3A_374 = vector.extract %reduce_sum3A_373[15] : f32 from vector<16xf32>
          %div3A = vector.broadcast %reduce_sum3A_374 : f32 to vector<16xf32>
          %div3A_375 = arith.divf %exp3A, %div3A : vector<16xf32>
          %swap3A = arith.constant 0 : i32
          %swap3A_376 = arith.constant 0 : i32
          %swap3A_377 = tpu.memref_slice %run_scoped3A_8[%rem3A_244, %swap3A, %swap3A_376] : memref<2x32x16xf32, #tpu.memory_space<vmem>> -> memref<1x32x16xf32, #tpu.memory_space<vmem>>
          %swap3A_378 = tpu.memref_squeeze %swap3A_377 : memref<1x32x16xf32, #tpu.memory_space<vmem>> -> memref<32x16xf32, #tpu.memory_space<vmem>>
          %swap3A_379 = arith.index_cast %add3A_357 : i32 to index
          %swap3A_380 = arith.constant 0 : index
          %swap3A_381 = tpu.vector_load %swap3A_378[%swap3A_379, %swap3A_380] {strides = array<i32>} : memref<32x16xf32, #tpu.memory_space<vmem>>, vector<16xf32>,
          tpu.vector_store %swap3A_378[%swap3A_379, %swap3A_380], %div3A_375 {strides = array<i32>} : memref<32x16xf32, #tpu.memory_space<vmem>>, vector<16xf32>,
          %swap3A_382 = arith.constant 0 : i32
          %swap3A_383 = arith.constant 0 : i32
          %swap3A_384 = tpu.memref_slice %run_scoped3A_10[%rem3A_246, %swap3A_382, %swap3A_383] : memref<2x32x16xi32, #tpu.memory_space<vmem>> -> memref<1x32x16xi32, #tpu.memory_space<vmem>>
          %swap3A_385 = tpu.memref_squeeze %swap3A_384 : memref<1x32x16xi32, #tpu.memory_space<vmem>> -> memref<32x16xi32, #tpu.memory_space<vmem>>
          %swap3A_386 = arith.index_cast %add3A_357 : i32 to index
          %swap3A_387 = arith.constant 0 : index
          %swap3A_388 = tpu.vector_load %swap3A_385[%swap3A_386, %swap3A_387] {strides = array<i32>} : memref<32x16xi32, #tpu.memory_space<vmem>>, vector<16xi32>,
          tpu.vector_store %swap3A_385[%swap3A_386, %swap3A_387], %scan3A_365#1 {strides = array<i32>} : memref<32x16xi32, #tpu.memory_space<vmem>>, vector<16xi32>,
        }
        %scan3A_251 = arith.constant 32 : i32
        "tpu.trace_stop"() : () -> ()
        %ne3A_252 = arith.cmpi ne, %add3A_155, %add3A_173 : i32
        %or3A_253 = arith.constant false
        %or3A_254 = arith.ori %or3A_253, %ne3A_252 : i1
        %or3A_255 = arith.constant false
        %or3A_256 = arith.ori %or3A_254, %or3A_255 : i1
        %or3A_257 = arith.ori %or3A_256, %eq3A_154 : i1
        %convert_element_type3A_258 = arith.extui %or3A_257 : i1 to i32
        %cond3A_259 = arith.constant 0 : i32
        %cond3A_260 = arith.cmpi ne, %convert_element_type3A_258, %cond3A_259 : i32
        scf.if %cond3A_260 {
        } else {
        }
        %and3A_261 = arith.constant false
        %and3A_262 = arith.andi %or3A_257, %and3A_261 : i1
        %ne3A_263 = arith.cmpi ne, %add3A_155, %add3A_173 : i32
        %or3A_264 = arith.constant false
        %or3A_265 = arith.ori %or3A_264, %ne3A_263 : i1
        %or3A_266 = arith.constant false
        %or3A_267 = arith.ori %or3A_265, %or3A_266 : i1
        %or3A_268 = arith.ori %or3A_267, %eq3A_154 : i1
        %convert_element_type3A_269 = arith.extui %or3A_268 : i1 to i32
        %cond3A_270 = arith.constant 0 : i32
        %cond3A_271 = arith.cmpi ne, %convert_element_type3A_269, %cond3A_270 : i32
        scf.if %cond3A_271 {
          "tpu.trace_start"() <{level = 10 : i32, message = "ep_copy_out"}> : () -> ()
          %rem3A_353 = arith.constant 2 : i32
          %rem3A_354 = arith.remui %scan3A_146, %rem3A_353 : i32
          %mul3A_355 = arith.constant 32 : i32
          %mul3A_356 = arith.muli %mul3A_355, %add3A_155 : i32
          %dma_start3A_357 = arith.constant 0 : i32
          %dma_start3A_358 = arith.constant 0 : i32
          %dma_start3A_359 = tpu.memref_slice %run_scoped3A_8[%rem3A_354, %dma_start3A_357, %dma_start3A_358] : memref<2x32x16xf32, #tpu.memory_space<vmem>> -> memref<1x32x16xf32, #tpu.memory_space<vmem>>
          %dma_start3A_360 = tpu.memref_squeeze %dma_start3A_359 : memref<1x32x16xf32, #tpu.memory_space<vmem>> -> memref<32x16xf32, #tpu.memory_space<vmem>>
          %dma_start3A_361 = arith.constant 0 : i32
          %dma_start3A_362 = tpu.memref_slice %arg3[%mul3A_356, %dma_start3A_361] : memref<16384x16xf32, #tpu.memory_space<hbm>> -> memref<32x16xf32, #tpu.memory_space<hbm>>
          %dma_start3A_363 = tpu.memref_slice %run_scoped3A_9[%rem3A_354] : memref<2x!tpu.dma_semaphore, #tpu.memory_space<semaphore_mem>> -> memref<1x!tpu.dma_semaphore, #tpu.memory_space<semaphore_mem>>
          %dma_start3A_364 = tpu.memref_squeeze %dma_start3A_363 : memref<1x!tpu.dma_semaphore, #tpu.memory_space<semaphore_mem>> -> memref<!tpu.dma_semaphore, #tpu.memory_space<semaphore_mem>>
          %dma_start3A_365 = arith.constant 0 : i32
          %dma_start3A_366 = tpu.memref_slice %arg3[%mul3A_356, %dma_start3A_365] : memref<16384x16xf32, #tpu.memory_space<hbm>> -> memref<32x16xf32, #tpu.memory_space<hbm>>
          %dma_start3A_367 = arith.constant 0 : i32
          %dma_start3A_368 = arith.constant 0 : i32
          %dma_start3A_369 = tpu.memref_slice %run_scoped3A_8[%rem3A_354, %dma_start3A_367, %dma_start3A_368] : memref<2x32x16xf32, #tpu.memory_space<vmem>> -> memref<1x32x16xf32, #tpu.memory_space<vmem>>
          %dma_start3A_370 = tpu.memref_squeeze %dma_start3A_369 : memref<1x32x16xf32, #tpu.memory_space<vmem>> -> memref<32x16xf32, #tpu.memory_space<vmem>>
          tpu.enqueue_dma source(%dma_start3A_370 : memref<32x16xf32, #tpu.memory_space<vmem>>) target(%dma_start3A_366 : memref<32x16xf32, #tpu.memory_space<hbm>>) target_semaphore(%dma_start3A_364 : memref<!tpu.dma_semaphore, #tpu.memory_space<semaphore_mem>>)
          "tpu.trace_stop"() : () -> ()
        } else {
        }
        %and3A_272 = arith.constant true
        %and3A_273 = arith.andi %or3A_268, %and3A_272 : i1
        %add3A_274 = arith.constant 1 : i32
        %add3A_275 = arith.addi %scan3A_146, %add3A_274 : i32
        %select_n3A_276 = arith.select %and3A_273, %add3A_275, %scan3A_146 : i32
        %ne3A_277 = arith.cmpi ne, %add3A_155, %add3A_173 : i32
        %or3A_278 = arith.constant false
        %or3A_279 = arith.ori %or3A_278, %ne3A_277 : i1
        %or3A_280 = arith.constant false
        %or3A_281 = arith.ori %or3A_279, %or3A_280 : i1
        %or3A_282 = arith.ori %or3A_281, %eq3A_154 : i1
        %convert_element_type3A_283 = arith.extui %or3A_282 : i1 to i32
        %cond3A_284 = arith.constant 0 : i32
        %cond3A_285 = arith.cmpi ne, %convert_element_type3A_283, %cond3A_284 : i32
        scf.if %cond3A_285 {
          "tpu.trace_start"() <{level = 10 : i32, message = "ep_copy_out"}> : () -> ()
          %rem3A_353 = arith.constant 2 : i32
          %rem3A_354 = arith.remui %scan3A_148, %rem3A_353 : i32
          %mul3A_355 = arith.constant 32 : i32
          %mul3A_356 = arith.muli %mul3A_355, %add3A_155 : i32
          %dma_start3A_357 = arith.constant 0 : i32
          %dma_start3A_358 = arith.constant 0 : i32
          %dma_start3A_359 = tpu.memref_slice %run_scoped3A_10[%rem3A_354, %dma_start3A_357, %dma_start3A_358] : memref<2x32x16xi32, #tpu.memory_space<vmem>> -> memref<1x32x16xi32, #tpu.memory_space<vmem>>
          %dma_start3A_360 = tpu.memref_squeeze %dma_start3A_359 : memref<1x32x16xi32, #tpu.memory_space<vmem>> -> memref<32x16xi32, #tpu.memory_space<vmem>>
          %dma_start3A_361 = arith.constant 0 : i32
          %dma_start3A_362 = tpu.memref_slice %arg4[%mul3A_356, %dma_start3A_361] : memref<16384x16xi32, #tpu.memory_space<hbm>> -> memref<32x16xi32, #tpu.memory_space<hbm>>
          %dma_start3A_363 = tpu.memref_slice %run_scoped3A_11[%rem3A_354] : memref<2x!tpu.dma_semaphore, #tpu.memory_space<semaphore_mem>> -> memref<1x!tpu.dma_semaphore, #tpu.memory_space<semaphore_mem>>
          %dma_start3A_364 = tpu.memref_squeeze %dma_start3A_363 : memref<1x!tpu.dma_semaphore, #tpu.memory_space<semaphore_mem>> -> memref<!tpu.dma_semaphore, #tpu.memory_space<semaphore_mem>>
          %dma_start3A_365 = arith.constant 0 : i32
          %dma_start3A_366 = tpu.memref_slice %arg4[%mul3A_356, %dma_start3A_365] : memref<16384x16xi32, #tpu.memory_space<hbm>> -> memref<32x16xi32, #tpu.memory_space<hbm>>
          %dma_start3A_367 = arith.constant 0 : i32
          %dma_start3A_368 = arith.constant 0 : i32
          %dma_start3A_369 = tpu.memref_slice %run_scoped3A_10[%rem3A_354, %dma_start3A_367, %dma_start3A_368] : memref<2x32x16xi32, #tpu.memory_space<vmem>> -> memref<1x32x16xi32, #tpu.memory_space<vmem>>
          %dma_start3A_370 = tpu.memref_squeeze %dma_start3A_369 : memref<1x32x16xi32, #tpu.memory_space<vmem>> -> memref<32x16xi32, #tpu.memory_space<vmem>>
          tpu.enqueue_dma source(%dma_start3A_370 : memref<32x16xi32, #tpu.memory_space<vmem>>) target(%dma_start3A_366 : memref<32x16xi32, #tpu.memory_space<hbm>>) target_semaphore(%dma_start3A_364 : memref<!tpu.dma_semaphore, #tpu.memory_space<semaphore_mem>>)
          "tpu.trace_stop"() : () -> ()
        } else {
        }
        %and3A_286 = arith.constant true
        %and3A_287 = arith.andi %or3A_282, %and3A_286 : i1
        %add3A_288 = arith.constant 1 : i32
        %add3A_289 = arith.addi %scan3A_148, %add3A_288 : i32
        %select_n3A_290 = arith.select %and3A_287, %add3A_289, %scan3A_148 : i32
        %ne3A_291 = arith.cmpi ne, %add3A_155, %add3A_164 : i32
        %or3A_292 = arith.constant false
        %or3A_293 = arith.ori %or3A_292, %ne3A_291 : i1
        %or3A_294 = arith.constant false
        %or3A_295 = arith.ori %or3A_293, %or3A_294 : i1
        %not3A_296 = arith.constant true
        %not3A_297 = arith.xori %eq3A_152, %not3A_296 : i1
        %and3A_298 = arith.andi %or3A_295, %not3A_297 : i1
        %convert_element_type3A_299 = arith.extui %and3A_298 : i1 to i32
        %cond3A_300 = arith.constant 0 : i32
        %cond3A_301 = arith.cmpi ne, %convert_element_type3A_299, %cond3A_300 : i32
        scf.if %cond3A_301 {
        } else {
        }
        %and3A_302 = arith.constant false
        %and3A_303 = arith.andi %and3A_298, %and3A_302 : i1
        %ne3A_304 = arith.cmpi ne, %add3A_155, %add3A_164 : i32
        %or3A_305 = arith.constant false
        %or3A_306 = arith.ori %or3A_305, %ne3A_304 : i1
        %or3A_307 = arith.constant false
        %or3A_308 = arith.ori %or3A_306, %or3A_307 : i1
        %not3A_309 = arith.constant true
        %not3A_310 = arith.xori %eq3A_152, %not3A_309 : i1
        %and3A_311 = arith.andi %or3A_308, %not3A_310 : i1
        %convert_element_type3A_312 = arith.extui %and3A_311 : i1 to i32
        %cond3A_313 = arith.constant 0 : i32
        %cond3A_314 = arith.cmpi ne, %convert_element_type3A_312, %cond3A_313 : i32
        scf.if %cond3A_314 {
          "tpu.trace_start"() <{level = 10 : i32, message = "ep_wait_out"}> : () -> ()
          %rem3A_353 = arith.constant 2 : i32
          %rem3A_354 = arith.remui %scan3A_147, %rem3A_353 : i32
          %mul3A_355 = arith.constant 32 : i32
          %mul3A_356 = arith.muli %mul3A_355, %add3A_164 : i32
          %dma_wait3A_357 = arith.constant 0 : i32
          %dma_wait3A_358 = arith.constant 0 : i32
          %dma_wait3A_359 = tpu.memref_slice %run_scoped3A_8[%rem3A_354, %dma_wait3A_357, %dma_wait3A_358] : memref<2x32x16xf32, #tpu.memory_space<vmem>> -> memref<1x32x16xf32, #tpu.memory_space<vmem>>
          %dma_wait3A_360 = tpu.memref_squeeze %dma_wait3A_359 : memref<1x32x16xf32, #tpu.memory_space<vmem>> -> memref<32x16xf32, #tpu.memory_space<vmem>>
          %dma_wait3A_361 = arith.constant 0 : i32
          %dma_wait3A_362 = tpu.memref_slice %arg3[%mul3A_356, %dma_wait3A_361] : memref<16384x16xf32, #tpu.memory_space<hbm>> -> memref<32x16xf32, #tpu.memory_space<hbm>>
          %dma_wait3A_363 = tpu.memref_slice %run_scoped3A_9[%rem3A_354] : memref<2x!tpu.dma_semaphore, #tpu.memory_space<semaphore_mem>> -> memref<1x!tpu.dma_semaphore, #tpu.memory_space<semaphore_mem>>
          %dma_wait3A_364 = tpu.memref_squeeze %dma_wait3A_363 : memref<1x!tpu.dma_semaphore, #tpu.memory_space<semaphore_mem>> -> memref<!tpu.dma_semaphore, #tpu.memory_space<semaphore_mem>>
          %dma_wait3A_365 = arith.constant 0 : i32
          %dma_wait3A_366 = tpu.memref_slice %arg3[%mul3A_356, %dma_wait3A_365] : memref<16384x16xf32, #tpu.memory_space<hbm>> -> memref<32x16xf32, #tpu.memory_space<hbm>>
          %dma_wait3A_367 = arith.constant 0 : i32
          %dma_wait3A_368 = arith.constant 0 : i32
          %dma_wait3A_369 = tpu.memref_slice %run_scoped3A_8[%rem3A_354, %dma_wait3A_367, %dma_wait3A_368] : memref<2x32x16xf32, #tpu.memory_space<vmem>> -> memref<1x32x16xf32, #tpu.memory_space<vmem>>
          %dma_wait3A_370 = tpu.memref_squeeze %dma_wait3A_369 : memref<1x32x16xf32, #tpu.memory_space<vmem>> -> memref<32x16xf32, #tpu.memory_space<vmem>>
          tpu.wait_dma2 semaphore(%dma_wait3A_364 : memref<!tpu.dma_semaphore, #tpu.memory_space<semaphore_mem>>) src(%dma_wait3A_370 : memref<32x16xf32, #tpu.memory_space<vmem>>) dst(%dma_wait3A_366 : memref<32x16xf32, #tpu.memory_space<hbm>>)
          "tpu.trace_stop"() : () -> ()
        } else {
        }
        %and3A_315 = arith.constant true
        %and3A_316 = arith.andi %and3A_311, %and3A_315 : i1
        %add3A_317 = arith.constant 1 : i32
        %add3A_318 = arith.addi %scan3A_147, %add3A_317 : i32
        %select_n3A_319 = arith.select %and3A_316, %add3A_318, %scan3A_147 : i32
        %ne3A_320 = arith.cmpi ne, %add3A_155, %add3A_164 : i32
        %or3A_321 = arith.constant false
        %or3A_322 = arith.ori %or3A_321, %ne3A_320 : i1
        %or3A_323 = arith.constant false
        %or3A_324 = arith.ori %or3A_322, %or3A_323 : i1
        %not3A_325 = arith.constant true
        %not3A_326 = arith.xori %eq3A_152, %not3A_325 : i1
        %and3A_327 = arith.andi %or3A_324, %not3A_326 : i1
        %convert_element_type3A_328 = arith.extui %and3A_327 : i1 to i32
        %cond3A_329 = arith.constant 0 : i32
        %cond3A_330 = arith.cmpi ne, %convert_element_type3A_328, %cond3A_329 : i32
        scf.if %cond3A_330 {
          "tpu.trace_start"() <{level = 10 : i32, message = "ep_wait_out"}> : () -> ()
          %rem3A_353 = arith.constant 2 : i32
          %rem3A_354 = arith.remui %scan3A_149, %rem3A_353 : i32
          %mul3A_355 = arith.constant 32 : i32
          %mul3A_356 = arith.muli %mul3A_355, %add3A_164 : i32
          %dma_wait3A_357 = arith.constant 0 : i32
          %dma_wait3A_358 = arith.constant 0 : i32
          %dma_wait3A_359 = tpu.memref_slice %run_scoped3A_10[%rem3A_354, %dma_wait3A_357, %dma_wait3A_358] : memref<2x32x16xi32, #tpu.memory_space<vmem>> -> memref<1x32x16xi32, #tpu.memory_space<vmem>>
          %dma_wait3A_360 = tpu.memref_squeeze %dma_wait3A_359 : memref<1x32x16xi32, #tpu.memory_space<vmem>> -> memref<32x16xi32, #tpu.memory_space<vmem>>
          %dma_wait3A_361 = arith.constant 0 : i32
          %dma_wait3A_362 = tpu.memref_slice %arg4[%mul3A_356, %dma_wait3A_361] : memref<16384x16xi32, #tpu.memory_space<hbm>> -> memref<32x16xi32, #tpu.memory_space<hbm>>
          %dma_wait3A_363 = tpu.memref_slice %run_scoped3A_11[%rem3A_354] : memref<2x!tpu.dma_semaphore, #tpu.memory_space<semaphore_mem>> -> memref<1x!tpu.dma_semaphore, #tpu.memory_space<semaphore_mem>>
          %dma_wait3A_364 = tpu.memref_squeeze %dma_wait3A_363 : memref<1x!tpu.dma_semaphore, #tpu.memory_space<semaphore_mem>> -> memref<!tpu.dma_semaphore, #tpu.memory_space<semaphore_mem>>
          %dma_wait3A_365 = arith.constant 0 : i32
          %dma_wait3A_366 = tpu.memref_slice %arg4[%mul3A_356, %dma_wait3A_365] : memref<16384x16xi32, #tpu.memory_space<hbm>> -> memref<32x16xi32, #tpu.memory_space<hbm>>
          %dma_wait3A_367 = arith.constant 0 : i32
          %dma_wait3A_368 = arith.constant 0 : i32
          %dma_wait3A_369 = tpu.memref_slice %run_scoped3A_10[%rem3A_354, %dma_wait3A_367, %dma_wait3A_368] : memref<2x32x16xi32, #tpu.memory_space<vmem>> -> memref<1x32x16xi32, #tpu.memory_space<vmem>>
          %dma_wait3A_370 = tpu.memref_squeeze %dma_wait3A_369 : memref<1x32x16xi32, #tpu.memory_space<vmem>> -> memref<32x16xi32, #tpu.memory_space<vmem>>
          tpu.wait_dma2 semaphore(%dma_wait3A_364 : memref<!tpu.dma_semaphore, #tpu.memory_space<semaphore_mem>>) src(%dma_wait3A_370 : memref<32x16xi32, #tpu.memory_space<vmem>>) dst(%dma_wait3A_366 : memref<32x16xi32, #tpu.memory_space<hbm>>)
          "tpu.trace_stop"() : () -> ()
        } else {
        }
        %and3A_331 = arith.constant true
        %and3A_332 = arith.andi %and3A_327, %and3A_331 : i1
        %add3A_333 = arith.constant 1 : i32
        %add3A_334 = arith.addi %scan3A_149, %add3A_333 : i32
        %select_n3A_335 = arith.select %and3A_332, %add3A_334, %scan3A_149 : i32
        %ne3A_336 = arith.cmpi ne, %add3A_155, %add3A_173 : i32
        %or3A_337 = arith.constant false
        %or3A_338 = arith.ori %or3A_337, %ne3A_336 : i1
        %or3A_339 = arith.constant false
        %or3A_340 = arith.ori %or3A_338, %or3A_339 : i1
        %or3A_341 = arith.ori %or3A_340, %eq3A_154 : i1
        %add3A_342 = arith.constant 1 : i32
        %add3A_343 = arith.addi %scan3A_145, %add3A_342 : i32
        %select_n3A_344 = arith.select %or3A_341, %add3A_343, %scan3A_145 : i32
        %add3A_345 = arith.constant 1 : i32
        %add3A_346 = arith.addi %scan3A_150, %add3A_345 : i32
        %select_n3A_347 = arith.constant true
        %select_n3A_348 = arith.select %select_n3A_347, %add3A_346, %scan3A_150 : i32
        %eq3A_349 = arith.constant 16 : i32
        %eq3A_350 = arith.cmpi eq, %select_n3A_348, %eq3A_349 : i32
        %select_n3A_351 = arith.constant 0 : i32
        %select_n3A_352 = arith.select %eq3A_350, %select_n3A_351, %select_n3A_348 : i32
        scf.yield %select_n3A_193, %select_n3A_344, %select_n3A_276, %select_n3A_319, %select_n3A_290, %select_n3A_335, %select_n3A_352 : i32, i32, i32, i32, i32, i32, i32
      }
      %scan3A_72 = arith.constant 16 : i32
      %sub3A = arith.constant 1 : i32
      %sub3A_73 = arith.subi %scan3A_71#6, %sub3A : i32
      %select_n3A_74 = arith.constant true
      %select_n3A_75 = arith.select %select_n3A_74, %sub3A_73, %scan3A_71#6 : i32
      %eq3A_76 = arith.constant -1 : i32
      %eq3A_77 = arith.cmpi eq, %select_n3A_75, %eq3A_76 : i32
      %select_n3A_78 = arith.constant 15 : i32
      %select_n3A_79 = arith.select %eq3A_77, %select_n3A_78, %select_n3A_75 : i32
      %add3A_80 = arith.addi %select_n3A_79, %mul3A_6 : i32
      %sub3A_81 = arith.constant 1 : i32
      %sub3A_82 = arith.subi %select_n3A_79, %sub3A_81 : i32
      %select_n3A_83 = arith.constant true
      %select_n3A_84 = arith.select %select_n3A_83, %sub3A_82, %select_n3A_79 : i32
      %eq3A_85 = arith.constant -1 : i32
      %eq3A_86 = arith.cmpi eq, %select_n3A_84, %eq3A_85 : i32
      %select_n3A_87 = arith.constant 15 : i32
      %select_n3A_88 = arith.select %eq3A_86, %select_n3A_87, %select_n3A_84 : i32
      %add3A_89 = arith.addi %select_n3A_88, %mul3A_6 : i32
      %add3A_90 = arith.constant 1 : i32
      %add3A_91 = arith.addi %select_n3A_79, %add3A_90 : i32
      %select_n3A_92 = arith.constant true
      %select_n3A_93 = arith.select %select_n3A_92, %add3A_91, %select_n3A_79 : i32
      %eq3A_94 = arith.constant 16 : i32
      %eq3A_95 = arith.cmpi eq, %select_n3A_93, %eq3A_94 : i32
      %select_n3A_96 = arith.constant 0 : i32
      %select_n3A_97 = arith.select %eq3A_95, %select_n3A_96, %select_n3A_93 : i32
      %add3A_98 = arith.addi %select_n3A_97, %mul3A_6 : i32
      %add3A_99 = arith.constant 1 : i32
      %add3A_100 = arith.addi %select_n3A_97, %add3A_99 : i32
      %select_n3A_101 = arith.constant true
      %select_n3A_102 = arith.select %select_n3A_101, %add3A_100, %select_n3A_97 : i32
      %eq3A_103 = arith.constant 16 : i32
      %eq3A_104 = arith.cmpi eq, %select_n3A_102, %eq3A_103 : i32
      %select_n3A_105 = arith.constant 0 : i32
      %select_n3A_106 = arith.select %eq3A_104, %select_n3A_105, %select_n3A_102 : i32
      %add3A_107 = arith.addi %select_n3A_106, %mul3A_6 : i32
      "tpu.trace_start"() <{level = 10 : i32, message = "ep_finalize"}> : () -> ()
      %rem3A_108 = arith.constant 2 : i32
      %rem3A_109 = arith.remui %scan3A_71#3, %rem3A_108 : i32
      %mul3A_110 = arith.constant 32 : i32
      %mul3A_111 = arith.muli %mul3A_110, %add3A_80 : i32
      %dma_wait3A = arith.constant 0 : i32
      %dma_wait3A_112 = arith.constant 0 : i32
      %dma_wait3A_113 = tpu.memref_slice %run_scoped3A_8[%rem3A_109, %dma_wait3A, %dma_wait3A_112] : memref<2x32x16xf32, #tpu.memory_space<vmem>> -> memref<1x32x16xf32, #tpu.memory_space<vmem>>
      %dma_wait3A_114 = tpu.memref_squeeze %dma_wait3A_113 : memref<1x32x16xf32, #tpu.memory_space<vmem>> -> memref<32x16xf32, #tpu.memory_space<vmem>>
      %dma_wait3A_115 = arith.constant 0 : i32
      %dma_wait3A_116 = tpu.memref_slice %arg3[%mul3A_111, %dma_wait3A_115] : memref<16384x16xf32, #tpu.memory_space<hbm>> -> memref<32x16xf32, #tpu.memory_space<hbm>>
      %dma_wait3A_117 = tpu.memref_slice %run_scoped3A_9[%rem3A_109] : memref<2x!tpu.dma_semaphore, #tpu.memory_space<semaphore_mem>> -> memref<1x!tpu.dma_semaphore, #tpu.memory_space<semaphore_mem>>
      %dma_wait3A_118 = tpu.memref_squeeze %dma_wait3A_117 : memref<1x!tpu.dma_semaphore, #tpu.memory_space<semaphore_mem>> -> memref<!tpu.dma_semaphore, #tpu.memory_space<semaphore_mem>>
      %dma_wait3A_119 = arith.constant 0 : i32
      %dma_wait3A_120 = tpu.memref_slice %arg3[%mul3A_111, %dma_wait3A_119] : memref<16384x16xf32, #tpu.memory_space<hbm>> -> memref<32x16xf32, #tpu.memory_space<hbm>>
      %dma_wait3A_121 = arith.constant 0 : i32
      %dma_wait3A_122 = arith.constant 0 : i32
      %dma_wait3A_123 = tpu.memref_slice %run_scoped3A_8[%rem3A_109, %dma_wait3A_121, %dma_wait3A_122] : memref<2x32x16xf32, #tpu.memory_space<vmem>> -> memref<1x32x16xf32, #tpu.memory_space<vmem>>
      %dma_wait3A_124 = tpu.memref_squeeze %dma_wait3A_123 : memref<1x32x16xf32, #tpu.memory_space<vmem>> -> memref<32x16xf32, #tpu.memory_space<vmem>>
      tpu.wait_dma2 semaphore(%dma_wait3A_118 : memref<!tpu.dma_semaphore, #tpu.memory_space<semaphore_mem>>) src(%dma_wait3A_124 : memref<32x16xf32, #tpu.memory_space<vmem>>) dst(%dma_wait3A_120 : memref<32x16xf32, #tpu.memory_space<hbm>>)
      %rem3A_125 = arith.constant 2 : i32
      %rem3A_126 = arith.remui %scan3A_71#5, %rem3A_125 : i32
      %mul3A_127 = arith.constant 32 : i32
      %mul3A_128 = arith.muli %mul3A_127, %add3A_80 : i32
      %dma_wait3A_129 = arith.constant 0 : i32
      %dma_wait3A_130 = arith.constant 0 : i32
      %dma_wait3A_131 = tpu.memref_slice %run_scoped3A_10[%rem3A_126, %dma_wait3A_129, %dma_wait3A_130] : memref<2x32x16xi32, #tpu.memory_space<vmem>> -> memref<1x32x16xi32, #tpu.memory_space<vmem>>
      %dma_wait3A_132 = tpu.memref_squeeze %dma_wait3A_131 : memref<1x32x16xi32, #tpu.memory_space<vmem>> -> memref<32x16xi32, #tpu.memory_space<vmem>>
      %dma_wait3A_133 = arith.constant 0 : i32
      %dma_wait3A_134 = tpu.memref_slice %arg4[%mul3A_128, %dma_wait3A_133] : memref<16384x16xi32, #tpu.memory_space<hbm>> -> memref<32x16xi32, #tpu.memory_space<hbm>>
      %dma_wait3A_135 = tpu.memref_slice %run_scoped3A_11[%rem3A_126] : memref<2x!tpu.dma_semaphore, #tpu.memory_space<semaphore_mem>> -> memref<1x!tpu.dma_semaphore, #tpu.memory_space<semaphore_mem>>
      %dma_wait3A_136 = tpu.memref_squeeze %dma_wait3A_135 : memref<1x!tpu.dma_semaphore, #tpu.memory_space<semaphore_mem>> -> memref<!tpu.dma_semaphore, #tpu.memory_space<semaphore_mem>>
      %dma_wait3A_137 = arith.constant 0 : i32
      %dma_wait3A_138 = tpu.memref_slice %arg4[%mul3A_128, %dma_wait3A_137] : memref<16384x16xi32, #tpu.memory_space<hbm>> -> memref<32x16xi32, #tpu.memory_space<hbm>>
      %dma_wait3A_139 = arith.constant 0 : i32
      %dma_wait3A_140 = arith.constant 0 : i32
      %dma_wait3A_141 = tpu.memref_slice %run_scoped3A_10[%rem3A_126, %dma_wait3A_139, %dma_wait3A_140] : memref<2x32x16xi32, #tpu.memory_space<vmem>> -> memref<1x32x16xi32, #tpu.memory_space<vmem>>
      %dma_wait3A_142 = tpu.memref_squeeze %dma_wait3A_141 : memref<1x32x16xi32, #tpu.memory_space<vmem>> -> memref<32x16xi32, #tpu.memory_space<vmem>>
      tpu.wait_dma2 semaphore(%dma_wait3A_136 : memref<!tpu.dma_semaphore, #tpu.memory_space<semaphore_mem>>) src(%dma_wait3A_142 : memref<32x16xi32, #tpu.memory_space<vmem>>) dst(%dma_wait3A_138 : memref<32x16xi32, #tpu.memory_space<hbm>>)
      "tpu.trace_stop"() : () -> ()
      tpu.yield
    }) : () -> ()
    return
  }
}

module attributes {stable_mosaic.version = 14 : i64} {
  func.func @_matmul_kernel(%arg0: i32, %arg1: i32, %arg2: memref<1x256x512xf32, #tpu.memory_space<vmem>>, %arg3: memref<1x1024x512xf32, #tpu.memory_space<vmem>>, %arg4: memref<256x1024xf32, #tpu.memory_space<vmem>>) attributes {dimension_semantics = [#tpu.dimension_semantics<arbitrary>, #tpu.dimension_semantics<arbitrary>], iteration_bounds = array<i64: 16, 4>, scalar_prefetch = 0 : i64, scratch_operands = 0 : i64, tpu.core_type = #tpu.core_type<tc>, window_params = [{transform_indices = @transform_0, window_bounds = array<i64: 1, 256, 512>}, {transform_indices = @transform_1, window_bounds = array<i64: 1, 1024, 512>}, {transform_indices = @transform_2, window_bounds = array<i64: 256, 1024>}]} {
    %get3A = arith.constant 0 : index
    %get3A_0 = arith.constant 0 : index
    %get3A_1 = arith.constant 0 : index
    %get3A_2 = vector.load %arg2[%get3A, %get3A_0, %get3A_1] : memref<1x256x512xf32, #tpu.memory_space<vmem>>, vector<1x256x512xf32>
    %get3A_3 = vector.shape_cast %get3A_2 : vector<1x256x512xf32> to vector<256x512xf32>
    %mul3A = arith.constant 0.0441941731 : f32
    %mul3A_4 = vector.broadcast %mul3A : f32 to vector<256x512xf32>
    %mul3A_5 = arith.mulf %get3A_3, %mul3A_4 : vector<256x512xf32>
    %get3A_6 = arith.constant 0 : index
    %get3A_7 = arith.constant 0 : index
    %get3A_8 = arith.constant 0 : index
    %get3A_9 = vector.load %arg3[%get3A_6, %get3A_7, %get3A_8] : memref<1x1024x512xf32, #tpu.memory_space<vmem>>, vector<1x1024x512xf32>
    %get3A_10 = vector.shape_cast %get3A_9 : vector<1x1024x512xf32> to vector<1024x512xf32>
    %dot_general3A = arith.constant dense<0.000000e+00> : vector<256x1024xf32>
    %dot_general3A_11 = tpu.matmul %mul3A_5, %get3A_10, %dot_general3A {dimension_numbers = #tpu.dot_dimension_numbers<[1], [1], [0], [0], [0, 0, 1, 0], [], []>, transpose_lhs_hint = false} : vector<256x512xf32>, vector<1024x512xf32>, vector<256x1024xf32> -> vector<256x1024xf32>
    %swap3A = arith.constant 0 : index
    %swap3A_12 = arith.constant 0 : index
    %swap3A_13 = vector.load %arg4[%swap3A, %swap3A_12] : memref<256x1024xf32, #tpu.memory_space<vmem>>, vector<256x1024xf32>
    tpu.vector_store %arg4[%swap3A, %swap3A_12], %dot_general3A_11 {strides = array<i32>} : memref<256x1024xf32, #tpu.memory_space<vmem>>, vector<256x1024xf32>,
    return
  }
  func.func @transform_0(%arg0: i32, %arg1: i32) -> (i32, i32, i32) {
    %c0_i32 = arith.constant 0 : i32
    %c0_i32_0 = arith.constant 0 : i32
    return %arg0, %arg1, %c0_i32 : i32, i32, i32
  }
  func.func @transform_1(%arg0: i32, %arg1: i32) -> (i32, i32, i32) {
    %c0_i32 = arith.constant 0 : i32
    %c0_i32_0 = arith.constant 0 : i32
    %c0_i32_1 = arith.constant 0 : i32
    return %arg0, %c0_i32, %c0_i32_0 : i32, i32, i32
  }
  func.func @transform_2(%arg0: i32, %arg1: i32) -> (i32, i32) {
    %mul3A = arith.constant 4 : i32
    %mul3A_0 = arith.muli %arg0, %mul3A : i32
    %add3A = arith.addi %mul3A_0, %arg1 : i32
    %c0_i32 = arith.constant 0 : i32
    %c0_i32_1 = arith.constant 0 : i32
    return %add3A, %c0_i32 : i32, i32
  }
}

</mosaic_0001>

<sc_bundles>
// kernel: kernel.4.cloned.1.call-start
scs
__scs_entry_jumppad:
0x0: {  	(pc) =	sbr.rel $0x88, $3  }
0x1: {  	(tag) =	ssettag $0x0;
	lr =	simm.s32 $0x1  }
0x2: {  	[smem:$0x3F9F] =	sst lr;
	_ =	strace $0xD0000000  }
0x3: {  	_ = 	snop  }
0x4: {  	_ = 	snop  }
0x5: {  	_ = 	snop  }
0x6: {  	_ = 	snop  }
0x7: {  	_ = 	snop  }
__scs_overlays_trampoline_lowered:
0x8: {  	[smem:$0x3FAE] =	sst s0  }
0x9: {  	[smem:$0x3FAF] =	sst s1  }
0xa: {  	[smem:$0x3FB0] =	sst s2  }
0xb: {  	[smem:$0x3FB1] =	sst s3  }
0xc: {  	[smem:$0x3FB2] =	sst s4  }
0xd: {  	[smem:$0x3FB3] =	sst s5  }
0xe: {  	[smem:$0x3FB4] =	sst s6  }
0xf: {  	[smem:$0x3FB5] =	sst s7  }
0x10: {  	[smem:$0x3FB6] =	sst s8  }
0x11: {  	[smem:$0x3FB7] =	sst s9;
	s0 =	simm.s32 @!p0 $0x0  }
0x12: {  	s1 =	sld [smem:$0x3F9D];
	s0 =	simm.s32 @p0 $0x1  }
0x13: {  	[smem:$0x3FB8] =	sst s0;
	s0 =	simm.s32 @!p1 $0x0  }
0x14: {  	s2 =	sld [smem:$0x3F9C];
	s0 =	simm.s32 @p1 $0x1  }
0x15: {  	[smem:$0x3FB9] =	sst s0;
	s0 =	simm.s32 @!p2 $0x0  }
0x16: {  	s3 =	sld [smem:$0x3FDB];
	s0 =	simm.s32 @p2 $0x1  }
0x17: {  	s4 =	simm.s32 $0x1BF5;
	[smem:$0x3FBB] =	sst s0  }
0x18: {  	s0 =	sld [smem:$0x3F9E];
	_ =	swait.ge [sflag:s4], $0x0  }
0x19: {  	s7 =	sld [smem:$0x3F9F]  }
0x1a: {  	s8 =	sadd.s32 $0xFFFFE003, lr  }
0x1b: {  	s9 =	sadd.s32 $0xFFFFFEF7, lr;
	s5 =	simm.s32 $0xFFFFFFFF;
	p2 =	slt.u32 s8, $0xFFFFF086  }
0x1c: {  	p1 =	slt.u32 s9, $0xF7A;
	s5 =	simm.s32 @!p2 $0x0  }
0x1d: {  	s5 =	simm.s32 @p1 $0x1;
	p0 =	seq.s32 s7, s2  }
0x1e: {  	s7 =	smul.u32 @!p0 $0xF7A, s2;
	p2 =	seq.s32 @!p0 s5, $0x0  }
0x1f: {  	s9 =	smul.u32 $0xF7A, s1;
	s8 =	simm.s32 @!p0 $0x1BF5;
	p2 =	por !p2, p0  }
0x20: {  	[sflag:s8] =	ssyncset.s32 @!p0 $0xFFFFF086;
	s6 =	sadd.s32 @!p0 s3, s7;
	s7 =	simm.s32 @!p0 $0x108  }
0x21: {  	s3 =	sadd.s32 s3, s9;
	s6 =	sadd.s32 @!p0 $0x88, s6;
	s7 =	simm.s32 @p2 $0x1082  }
0x22: {  	[simem:s7], [sflag:s8] =	dma.local @!p0 [hbm:s6], $0xF7A  }
0x23: {  	s9 =	sor.u32 $0xD0000000, s2;
	s6 =	simm.s32 $0x108;
	_ =	swait.ge @!p0 [sflag:s8], $0x0  }
0x24: {  	s3 =	sadd.s32 $0x88, s3;
	s6 =	simm.s32 @!p1 $0x1082;
	[sflag:s4] =	ssyncset.s32 $0xFFFFF086  }
0x25: {  	[simem:s6], [sflag:s4] =	dma.local [hbm:s3], $0xF7A  }
0x26: {  	[smem:$0x3F9F] =	sst s1;
	(tag) =	ssettag s2;
	_ =	strace s9  }
0x27: {  	s1 =	sld [smem:$0x3FAF]  }
0x28: {  	s2 =	sld [smem:$0x3FB0]  }
0x29: {  	s4 =	sld [smem:$0x3FB2]  }
0x2a: {  	p0 =	seq.s32 s5, $0x0;
	s5 =	sld [smem:$0x3FB3]  }
0x2b: {  	s6 =	sld [smem:$0x3FB4]  }
0x2c: {  	s7 =	sld [smem:$0x3FB5]  }
0x2d: {  	s3 =	simm.s32 $0x108;
	s8 =	sld [smem:$0x3FB6]  }
0x2e: {  	s3 =	simm.s32 @!p0 $0x1082;
	s9 =	sld [smem:$0x3FB7]  }
0x2f: {  	lr =	sadd.s32 s0, s3;
	s0 =	sld [smem:$0x3FAE]  }
0x30: {  	s3 =	sld [smem:$0x3FB1]  }
0x31: {  	[smem:$0x3FBA] =	sst s10  }
0x32: {  	s10 =	sld [smem:$0x3FB8];
	_ =	sdelay $0x3  }
0x33: {  	p0 =	seq.s32 s10, $0x1;
	s10 =	sld [smem:$0x3FBA];
	_ =	sdelay $0x3  }
0x34: {  	[smem:$0x3FBA] =	sst s10  }
0x35: {  	s10 =	sld [smem:$0x3FB9];
	_ =	sdelay $0x3  }
0x36: {  	p1 =	seq.s32 s10, $0x1;
	s10 =	sld [smem:$0x3FBA];
	_ =	sdelay $0x3  }
0x37: {  	[smem:$0x3FBA] =	sst s10  }
0x38: {  	s10 =	sld [smem:$0x3FBB]  }
0x39: {  	_ = 	snop;
	(pc) =	sbr.ind lr, $3  }
0x3a: {  	_ = 	snop  }
0x3b: {  	_ = 	snop  }
0x3c: {  	p2 =	seq.s32 s10, $0x1;
	s10 =	sld [smem:$0x3FBA]  }
0x3d: {  	_ =	shalt  }
0x3e: {  	_ =	shalt  }
0x3f: {  	_ =	shalt  }
0x40: {  	_ =	shalt  }
0x41: {  	_ =	shalt  }
0x42: {  	_ =	shalt  }
0x43: {  	_ =	shalt  }
0x44: {  	_ =	shalt  }
0x45: {  	_ =	shalt  }
0x46: {  	_ =	shalt  }
0x47: {  	_ =	shalt  }
0x48: {  	_ =	shalt  }
0x49: {  	_ =	shalt  }
0x4a: {  	_ =	shalt  }
0x4b: {  	_ =	shalt  }
0x4c: {  	_ =	shalt  }
0x4d: {  	_ =	shalt  }
0x4e: {  	_ =	shalt  }
0x4f: {  	_ =	shalt  }
0x50: {  	_ =	shalt  }
0x51: {  	_ =	shalt  }
0x52: {  	_ =	shalt  }
0x53: {  	_ =	shalt  }
0x54: {  	_ =	shalt  }
0x55: {  	_ =	shalt  }
0x56: {  	_ =	shalt  }
0x57: {  	_ =	shalt  }
0x58: {  	_ =	shalt  }
0x59: {  	_ =	shalt  }
0x5a: {  	_ =	shalt  }
0x5b: {  	_ =	shalt  }
0x5c: {  	_ =	shalt  }
0x5d: {  	_ =	shalt  }
0x5e: {  	_ =	shalt  }
0x5f: {  	_ =	shalt  }
0x60: {  	_ =	shalt  }
0x61: {  	_ =	shalt  }
0x62: {  	_ =	shalt  }
0x63: {  	_ =	shalt  }
0x64: {  	_ =	shalt  }
0x65: {  	_ =	shalt  }
0x66: {  	_ =	shalt  }
0x67: {  	_ =	shalt  }
0x68: {  	_ =	shalt  }
0x69: {  	_ =	shalt  }
0x6a: {  	_ =	shalt  }
0x6b: {  	_ =	shalt  }
0x6c: {  	_ =	shalt  }
0x6d: {  	_ =	shalt  }
0x6e: {  	_ =	shalt  }
0x6f: {  	_ =	shalt  }
0x70: {  	_ =	shalt  }
0x71: {  	_ =	shalt  }
0x72: {  	_ =	shalt  }
0x73: {  	_ =	shalt  }
0x74: {  	_ =	shalt  }
0x75: {  	_ =	shalt  }
0x76: {  	_ =	shalt  }
0x77: {  	_ =	shalt  }
0x78: {  	_ =	shalt  }
0x79: {  	_ =	shalt  }
0x7a: {  	_ =	shalt  }
0x7b: {  	_ =	shalt  }
0x7c: {  	_ =	shalt  }
0x7d: {  	_ =	shalt  }
0x7e: {  	_ =	shalt  }
0x7f: {  	_ =	shalt  }
0x80: {  	_ =	shalt  }
0x81: {  	_ =	shalt  }
0x82: {  	_ =	shalt  }
0x83: {  	_ =	shalt  }
0x84: {  	_ =	shalt  }
0x85: {  	_ =	shalt  }
0x86: {  	_ =	shalt  }
0x87: {  	_ =	shalt  }
.Lfunc_end0:
.L_simem_size_0:
called_computation_lowered:
.L_overlay_start_0:
0x88: {  	s2 =	sld [smem:$0x3FD9]  }
0x89: {  	s3 =	sld [smem:$0x3FFE];
	_ =	sdelay $0x1  }
0x8a: {  	s1 =	srdreg.scid  }
0x8b: {  	s0 =	sand.u32 $0x1, s1  }
0x8c: {  	s16 =	sshll.u32 s0, $0xA;
	s2 =	sadd.s32 s3, s2  }
0x8d: {  	s2 =	sadd.s32 s2, s16  }
0x8e: {  	[smem:$0x3FC6] =	sst s2  }
0x8f: {  	_ = 	snop  }
0x90: {  	(tm) =	ssettm $0x1  }
0x91: {  	s17 =	sld [smem:$0x3FFB];
	_ =	sdelay $0x3  }
0x92: {  	_ =	strace s17  }
0x93: {  	s2 =	sld [smem:$0x3FFC];
	_ =	sdelay $0x3  }
0x94: {  	_ =	strace s2  }
0x95: {  	s2 =	sld [smem:$0x3FFD];
	_ =	sdelay $0x3  }
0x96: {  	_ =	strace s2  }
0x97: {  	_ =	strace $0x8FFFFFFF  }
0x98: {  	s18 =	sld [smem:$0x3FDB];
	_ =	sdelay $0x1  }
0x99: {  	s19 =	simm.s32 $_scs_section_size  }
0x9a: {  	s4 =	simm.s32 $_size__tile_overlayer_lowered;
	s5 =	simm.s32 $_tile_overlayer_lowered  }
0x9b: {  	s22 =	simm.s32 $0x1BFF;
	s21 =	sshll.u32 s5, $0x1;
	s2 =	sadd.s32 s19, s18  }
0x9c: {  	s6 =	simm.s32 $0x0;
	s20 =	sshll.u32 s4, $0x1;
	s4 =	sadd.s32 s21, s2  }
0x9d: {  	[timem:s6], [sflag:s22] =	dma.local [hbm:s4], s20  }
0x9e: {  	_ =	swait.ge [sflag:s22], s20  }
0x9f: {  	s3 =	ssub.s32 $0x0, s20;
	[sflag:s22] =	ssyncset.done $0x0  }
0xa0: {  	[sflag:s22] =	ssyncadd.s32 s3;
	_ =	sdelay $0x1  }
0xa1: {  	s23 =	simm.s32 $0x1B8B  }
0xa2: {  	_ =	swait.ge [sflag:s23], $0x1  }
0xa3: {  	[sflag:s23] =	ssyncset.done $0x0  }
0xa4: {  	s25 =	simm.s32 $0x1B8E;
	s24 =	sld [smem:$0x3FFE];
	[sflag:s23] =	ssyncadd.s32 $0xFFFFFFFF  }
0xa5: {  	s26 =	simm.s32 $execute0_lowered;
	[smem:$0x3FD2] =	sst s25  }
0xa6: {  	s4 =	sshll.u32 s26, $0x1;
	_ =	strace $0x80000046;
	[dreg:$0x1] =	wrdreg $0xFFFFFFFF  }
0xa7: {  	s28 =	simm.s32 $_size_execute0_lowered;
	s2 =	sadd.s32 s2, s4;
	[dreg:$0x0] =	wrdreg $0x0  }
0xa8: {  	s4 =	sshll.u32 s28, $0x1;
	[dreg:$0x2] =	wrdreg s2  }
0xa9: {  	[dreg:$0x3] =	wrdreg s4  }
0xaa: {  	[dreg:$0x4] =	wrdreg $0xC0  }
0xab: {  	_ =	task [dreg:s6], $0x5FFFF  }
0xac: {  	[dreg:$0x1] =	wrdreg $0xFFFFFFFF  }
0xad: {  	[dreg:$0x0] =	wrdreg $0x60  }
0xae: {  	[dreg:$0x2] =	wrdreg s24  }
0xaf: {  	[dreg:$0x3] =	wrdreg $0x9  }
0xb0: {  	_ =	task.clear_ibuf [dreg:s6], $0x4FFFF;
	_ =	strace $0x90000046  }
0xb1: {  	s29 =	simm.s32 $0x9;
	_ =	strace $0x80000051  }
0xb2: {  	_ =	swait.ge [sflag:s29], $0x1  }
0xb3: {  	[sflag:s29] =	ssyncadd.s32 $0xFFFFFFFF  }
0xb4: {  	_ =	strace $0x90000051  }
0xb5: {  	_ =	sfence  }
0xb6: {  	s30 =	sld [smem:$0x0];
	_ =	sdelay $0x2  }
0xb7: {  	s31 =	sshll.u32 s1, $0xD;
	s1 =	sshrl.u32 s1, $0x2  }
0xb8: {  	s3 =	sand.u32 $0x4000, s31;
	s1 =	sadd.s32 s1, s30  }
0xb9: {  	s0 =	sor.u32 s3, s0;
	s1 =	sshll.u32 s1, $0x11  }
0xba: {  	s0 =	sor.u32 s1, s0  }
0xbb: {  	s0 =	sadd.s32 $0x8F2B, s0  }
0xbc: {  	[sflag:s0] =	ssyncadd.remote.s32 $0x1  }
0xbd: {  	_ =	sfence.sel $0xFFFF  }
0xbe: {  	[dreg:$0x0] =	wrdreg $0xFFFFFFFF;
	(pc) =	sbr.abs _section_cstart, $3  }
0xbf: {  	[dreg:$0x1] =	wrdreg $0xFFFFFFFF  }
0xc0: {  	_ =	task.clear_ibuf [dreg:s6], $0x2FFFF;
	_ =	strace $0x9FFFFFFF  }
0xc1: {  	(tm) =	ssettm $0x7FFFFFFF  }
tec
execute0_lowered:
.L_overlay_start_1:
0x0: {  	(tag) =	ssettag $0x1  }
0x1: {  	s0 =	rddreg [dreg:$0x0]  }
0x2: {  	s1 =	simm.s32 $0x0;
	s2 =	srdreg.scid;
	s7 =	stileid.u32  }
0x3: {  	s9 =	simm.s32 $0x0;
	s3 =	sadd.s32 $0x800, s0;
	s2 =	sand.u32 $0x1, s2  }
0x4: {  	s4 =	sadd.s32 $0x200800, s0;
	s6 =	ssub.s32 $0x2, s2;
	s2 =	sshll.u32 s2, $0x4  }
0x5: {  	s5 =	sadd.s32 $0x240800, s0;
	s31 =	sshrl.u32 s6, $0x1;
	s2 =	sor.u32 s7, s2  }
0x6: {  	s0 =	ssub.s32 s6, s31;
	s6 =	sshll.u32 s2, $0x4;
	s2 =	sshll.u32 s2, $0x10  }
0x7: {  	s25 =	simm.s32 $0x0;
	[smem:$0x7FF] =	sst s1;
	s2 =	sadd.s32 s3, s2  }
0x8: {  	v0 =	vlaneseq.u32;
	_ =	strace $0x80000047;
	s8 =	smax.u32 s0, $0x1;
	[dreg:$0x2] =	wrdreg s2  }
.LBB2_1:
0x9: {  	_ =	strace $0x80000048;
	s11 =	simm.s32 $0x0  }
0xa: {  	s10 =	simm.s32 $0x0;
	s12 =	simm.s32 $0x0;
	s24 =	simm.s32 $0x0  }
0xb: {  	s13 =	simm.s32 $0x0;
	s14 =	simm.s32 $0x0;
	s0 =	rddreg [dreg:$0x2]  }
0xc: {  	[tilespmem:s1], [sflag:$0x1] =	stream.linear.gather [hbm4b:s0+s1], $0x8000, $0x200038;
	[tilespmem:$0x14000] =	vst v63  }
0xd: {  	s15 =	simm.s32 $0x1;
	s16 =	simm.s32 $0x0;
	_ =	strace $0x90000048  }
.LBB2_2:
0xe: {  	s18 =	smov.u32 s11;
	s11 =	sadd.s32 $0x1, s11  }
0xf: {  	p0 =	seq.s32 s11, $0x10  }
0x10: {  	s11 =	simm.s32 @p0 $0x0  }
0x11: {  	p1 =	sne.s32 s16, $0xF;
	p0 =	sne.s32 s18, s11  }
0x12: {  	p0 =	por !p1, !p0  }
0x13: {  	p0 =	por !p0, !p0  }
0x14: {  	s0 =	sadd.s32 @p0 s6, s11  }
0x15: {  	s2 =	sand.u32 @p0 $0x1, s15;
	s0 =	sshll.u32 @p0 s0, $0xC  }
0x16: {  	_ =	strace @p0 $0x80000049;
	s17 =	simm.s32 @p0 $0x0;
	s0 =	sand.u32 @p0 $0x1FFFF000, s0  }
0x17: {  	s7 =	sshll.u32 @p0 s2, $0xF;
	s2 =	sadd.s32 @p0 $0x1, s2;
	s0 =	sadd.s32 @p0 s3, s0  }
0x18: {  	[tilespmem:s7], [sflag:s2] =	stream.linear.gather @p0 [hbm4b:s0+s17], $0x8000, $0x200038;
	[tilespmem:$0x14000] =	vst v63  }
0x19: {  	s28 =	sand.u32 $0x1, s14;
	_ =	strace @p0 $0x90000049  }
0x1a: {  	s21 =	sand.u32 $0x1, s13;
	s0 =	sadd.s32 $0x1, s28;
	_ =	strace $0x8000004A  }
0x1b: {  	s19 =	sand.u32 $0x1, s12;
	s31 =	sshll.u32 s14, $0xF;
	_ =	swait.ge [sflag:s0], $0x8000  }
0x1c: {  	s26 =	simm.s32 $0x0;
	s20 =	sadd.s32 s6, s18;
	[sflag:s0] =	ssyncset.done $0x0  }
0x1d: {  	s29 =	sshll.u32 s21, $0xC;
	s30 =	sshll.u32 s19, $0xC;
	[sflag:s0] =	ssyncadd.s32 $0xFFFF8000  }
0x1e: {  	s23 =	sor.u32 $0x10000, s29;
	s22 =	sor.u32 $0x12000, s30;
	_ =	strace $0x9000004A  }
0x1f: {  	v1 =	vmov s23;
	v2 =	vmov s22;
	s17 =	smov.u32 s24;
	s24 =	sand.u32 $0x8000, s31;
	_ =	strace $0x8000004B  }
.LBB2_3:
0x20: {  	s0 =	sshll.u32 s26, $0xA  }
0x21: {  	s28 =	sshll.u32 s26, $0x7;
	s0 =	sand.u32 $0x6000, s0  }
0x22: {  	s2 =	sand.u32 $0x380, s28;
	s0 =	sadd.s32 s0, s24  }
0x23: {  	s29 =	sadd.s32 s2, s0;
	s2 =	sand.u32 $0x1C00, s25  }
0x24: {  	s7 =	sand.u32 $0x70, s25;
	s0 =	sadd.s32 s2, s29  }
0x25: {  	s0 =	sadd.s32 s7, s0  }
0x26: {  	v3 =	vld [tilespmem:s0+$0x0];
	_ =	sdelay $0x3  }
0x27: {  	v4 =	vor.u32 s25, v0  }
0x28: {  	(xrf1) =	vsort.ascd.msk.f32 $0xffff, v3, v4;
	_ =	sdelay $0x6  }
0x29: {  	s7 =	simm.s32 $0x80  }
0x2a: {  	s2 =	simm.s32 $0x10;
	s0 =	sand.u32 $0x1C00, s7  }
0x2b: {  	s7 =	sand.u32 $0x70, s2;
	s0 =	sadd.s32 s0, s29  }
0x2c: {  	s0 =	sadd.s32 s7, s0  }
0x2d: {  	v3 =	vld [tilespmem:s0+$0x0];
	_ =	sdelay $0x2  }
0x2e: {  	v62 =	vimm.f32 $-Inf;
	v5, v6, _ =	vpop (xrf1)  }
0x2f: {  	v7 =	vimm.s32 $0x0;
	v8 =	vor.u32 s2, v0;
	vm0 =	vge.f32 v62, v5  }
0x30: {  	(xrf1) =	vsort.ascd.msk.f32 $0xffff, v3, v8;
	v3 =	vsel vm0, v62, v5;
	v63 =	vsel vm0, v7, v6  }
0x31: {  	(xrf1) =	vsort.dscd.msk.f32 $0xffff, v3, v63;
	_ =	sdelay $0x6  }
0x32: {  	s31 =	simm.s32 $0x100  }
0x33: {  	s30 =	simm.s32 $0x20;
	s7 =	sand.u32 $0x1C00, s31  }
0x34: {  	s2 =	sand.u32 $0x70, s30;
	s7 =	sadd.s32 s7, s29;
	s0 =	simm.s32 $0x30  }
.LBB2_4:
0x35: {  	p1 =	sne.s32 s0, $0x3F0;
	s2 =	sadd.s32 s2, s7  }
0x36: {  	v3 =	vld [tilespmem:s2+$0x0];
	_ =	sdelay $0x1  }
0x37: {  	v4, v5, _ =	vpop (xrf1)  }
0x38: {  	v6, v7, _ =	vpop (xrf1)  }
0x39: {  	v8 =	vor.u32 s30, v0;
	s30 =	smov.u32 s0;
	vm0 =	vge.f32 v6, v4  }
0x3a: {  	(xrf1) =	vsort.ascd.msk.f32 $0xffff, v3, v8;
	v3 =	vsel vm0, v6, v4;
	v4 =	vsel vm0, v7, v5  }
0x3b: {  	(xrf1) =	vsort.dscd.msk.f32 $0xffff, v3, v4;
	_ =	sdelay $0x4  }
.Ltmp0:
0x3c: {  	(pc) =	sbr.rel @p1 .LBB2_4-.Ltmp0, $4  }
0x3d: {  	_ = 	snop  }
0x3e: {  	s31 =	sadd.s32 $0x80, s31  }
0x3f: {  	s7 =	sand.u32 $0x1C00, s31  }
0x40: {  	s0 =	sadd.s32 $0x10, s0;
	s2 =	sand.u32 $0x70, s30;
	s7 =	sadd.s32 s7, s29  }
0x41: {  	s0 =	sadd.s32 s2, s7  }
0x42: {  	v3 =	vld [tilespmem:s0+$0x0];
	_ =	sdelay $0x1  }
0x43: {  	v4, v5, _ =	vpop (xrf1)  }
0x44: {  	v6, v7, _ =	vpop (xrf1)  }
0x45: {  	v8 =	vor.u32 s30, v0;
	vm0 =	vge.f32 v6, v4  }
0x46: {  	(xrf1) =	vsort.ascd.msk.f32 $0xffff, v3, v8;
	v3 =	vsel vm0, v6, v4;
	v59 =	vsel vm0, v7, v5  }
0x47: {  	(xrf1) =	vsort.dscd.msk.f32 $0xffff, v3, v59;
	_ =	sdelay $0xc  }
0x48: {  	v3, v4, _ =	vpop (xrf1)  }
0x49: {  	v61, v60, _ =	vpop (xrf1)  }
0x4a: {  	vm15 =	vge.f32 v61, v3  }
0x4b: {  	v3 =	vsel vm15, v61, v3;
	v4 =	vsel vm15, v60, v4  }
0x4c: {  	(xrf1) =	vsort.dscd.msk.f32 $0xffff, v3, v4;
	_ =	sdelay $0xd  }
0x4d: {  	v3, v4, _ =	vpop (xrf1)  }
0x4e: {  	(xrf0) =	vmax.scan.msk.f32 $0xffff, v3;
	_ =	sdelay $0x5  }
0x4f: {  	v62, _, _ =	vpop (xrf0)  }
0x50: {  	v5 =	vbroadcast v62, $0xF;
	_ =	sdelay $0x1  }
0x51: {  	v3 =	vsub.f32 v3, v5;
	_ =	sdelay $0x1  }
0x52: {  	v3 =	vmul.f32 $1.442695020e+00, v3;
	_ =	sdelay $0x1  }
0x53: {  	(erf) = vpow2.f32 v3;
	_ =	sdelay $0x8  }
0x54: {  	v3 =	vpop (erf)  }
0x55: {  	(xrf2) =	vadd.scan.msk.f32 $0xffff, v3;
	_ =	sdelay $0x9  }
0x56: {  	v63, _, _ =	vpop (xrf2)  }
0x57: {  	v5 =	vbroadcast v63, $0xF;
	_ =	sdelay $0x1  }
0x58: {  	(erf) = vrcp.f32 v5;
	_ =	sdelay $0x6  }
0x59: {  	s26 =	sadd.s32 $0x1, s26  }
0x5a: {  	p1 =	sne.s32 s26, $0x20  }
.Ltmp1:
0x5b: {  	v5 =	vpop (erf);
	(pc) =	sbr.rel @p1 .LBB2_3-.Ltmp1, $3  }
0x5c: {  	v3 =	vmul.f32 v5, v3;
	_ =	sdelay $0x1  }
0x5d: {  	[tilespmem:v1+s28+$0x0 ss:$0x1] =	vst.idx.msk $0xffff, v3  }
0x5e: {  	[tilespmem:v2+s28+$0x0 ss:$0x1] =	vst.idx.msk $0xffff, v4  }
0x5f: {  	p1 =	seq.s32 s16, $0xF  }
0x60: {  	p2 =	seq.s32 @!p1 s18, s11  }
0x61: {  	s0 =	simm.s32 $0x0;
	p1 =	por p1, !p2  }
0x62: {  	s0 =	sshll.u32 @p1 s20, $0x9  }
0x63: {  	_ =	strace $0x9000004B;
	s0 =	sand.u32 @p1 $0x1FFFFE00, s0  }
0x64: {  	_ =	strace @p1 $0x8000004C;
	s2 =	sadd.s32 @p1 $0x3, s21;
	s7 =	sadd.s32 @p1 s4, s0  }
0x65: {  	[hbm4b:s7+s1] =	stream.linear.scatter @p1 [tilespmem:s23], [sflag:s2], $0x1000, $0x200038;
	[tilespmem:$0x14000] =	vst v63  }
0x66: {  	s13 =	sadd.s32 @p1 $0x1, s13;
	_ =	strace @p1 $0x9000004C  }
0x67: {  	s0 =	sadd.s32 @p1 s5, s0;
	s2 =	sadd.s32 @p1 $0x5, s19;
	_ =	strace @p1 $0x8000004D  }
0x68: {  	[hbm4b:s0+s1] =	stream.linear.scatter @p1 [tilespmem:s22], [sflag:s2], $0x1000, $0x200038;
	[tilespmem:$0x14000] =	vst v63  }
0x69: {  	s0 =	simm.s32 @p1 $0x1;
	_ =	strace @p1 $0x9000004D;
	p1 =	seq.s32 s16, $0x0  }
0x6a: {  	s2 =	sand.u32 @!p1 $0x1, s17  }
0x6b: {  	_ =	strace @!p1 $0x8000004E;
	s2 =	sadd.s32 @!p1 $0x3, s2  }
0x6c: {  	_ =	swait.ge @!p1 [sflag:s2], $0x1000  }
0x6d: {  	s7 =	simm.s32 $0x1;
	[sflag:s2] =	ssyncset.done @!p1 $0x0  }
0x6e: {  	s7 =	simm.s32 @!p0 $0x0;
	[sflag:s2] =	ssyncadd.s32 @!p1 $0xFFFFF000  }
0x6f: {  	s16 =	sadd.s32 $0x1, s16;
	s2 =	sand.u32 @!p1 $0x1, s10;
	_ =	strace @!p1 $0x9000004E  }
0x70: {  	p0 =	sne.s32 s16, $0x10;
	s2 =	sadd.s32 @!p1 $0x5, s2;
	_ =	strace @!p1 $0x8000004F  }
.Ltmp2:
0x71: {  	_ =	swait.ge @!p1 [sflag:s2], $0x1000;
	(pc) =	sbr.rel @p0 .LBB2_2-.Ltmp2, $4  }
0x72: {  	s15 =	sadd.s32 s7, s15;
	[sflag:s2] =	ssyncset.done @!p1 $0x0  }
0x73: {  	s12 =	sadd.s32 s12, s0;
	[sflag:s2] =	ssyncadd.s32 @!p1 $0xFFFFF000;
	s2 =	simm.s32 @!p1 $0x1  }
0x74: {  	s14 =	sadd.s32 s14, s0;
	s24 =	sadd.s32 @!p1 $0x1, s17;
	s2 =	simm.s32 @p1 $0x0  }
0x75: {  	s24 =	smov.u32 @p1 s17;
	_ =	strace @!p1 $0x9000004F;
	s10 =	sadd.s32 s10, s2  }
0x76: {  	s0 =	sand.u32 $0x1, s24  }
0x77: {  	_ =	strace $0x80000050;
	s0 =	sadd.s32 $0x3, s0  }
0x78: {  	s9 =	sadd.s32 $0x1, s9;
	_ =	swait.ge [sflag:s0], $0x1000  }
0x79: {  	s2 =	sand.u32 $0x1, s10;
	p0 =	sne.s32 s9, s8;
	[sflag:s0] =	ssyncset.done $0x0  }
.Ltmp3:
0x7a: {  	s31 =	sadd.s32 $0x5, s2;
	[sflag:s0] =	ssyncadd.s32 $0xFFFFF000;
	(pc) =	sbr.rel @p0 .LBB2_1-.Ltmp3, $4  }
0x7b: {  	_ =	swait.ge [sflag:s31], $0x1000  }
0x7c: {  	[sflag:s31] =	ssyncset.done $0x0  }
0x7d: {  	[sflag:s31] =	ssyncadd.s32 $0xFFFFF000  }
0x7e: {  	_ =	strace $0x90000050  }
0x7f: {  	_ =	sfence.sel $0x180000  }
0x80: {  	[bflag:$0x0] =	sbarrier.arrive $0xFFFF  }
0x81: {  	_ =	strace $0x90000047  }
0x82: {  	s0 =	stileid.u32;
	[bflag:$0x2] =	sbarrier.arrive $0xFFFF  }
0x83: {  	p0 =	sne.s32 s0, $0x0;
	s0 =	rddreg [dreg:$0x1]  }
0x84: {  	s0 =	sadd.s32 @!p0 $0x100000, s0  }
0x85: {  	[sflag:s0] =	ssyncadd.tile.s32 @!p0 $0x1;
	_ =	shalt  }
.Lfunc_end2:
_tile_overlayer_lowered:
.L_overlay_start_2:
0x86: {  	(tag) =	ssettag $0x2  }
0x87: {  	s0 =	rddreg [dreg:$0x0];
	s2 =	stileid.u32  }
0x88: {  	s1 =	rddreg [dreg:$0x1];
	p0 =	sne.s32 s2, $0x0  }
0x89: {  	s3 =	rddreg [dreg:$0x2];
	[bflag:$0x3] =	sbarrier.arrive $0xFFFF;
	s2 =	simm.s32 @!p0 $0x1C01  }
0x8a: {  	[timem:s3], [sflag:s2] =	dma.local @!p0 [hbm:s0], s1  }
0x8b: {  	s0 =	simm.s32 @!p0 $0x1  }
0x8c: {  	_ =	swait.ge @!p0 [sflag:s0], s1  }
0x8d: {  	s1 =	ssub.s32 @!p0 $0x0, s1;
	[sflag:s0] =	ssyncset.done @!p0 $0x0  }
0x8e: {  	[sflag:s0] =	ssyncadd.s32 @!p0 s1  }
0x8f: {  	[bflag:$0x3] =	sbarrier.arrive $0xFFFF  }
0x90: {  	_ =	shalt  }

</sc_bundles>
